<compile_context>
chip_gen: v7x
topology: tpu7x:2x2x1
jax: 0.10.2.dev20260603
libtpu: 0.0.44.dev20260713+nightly
codegen_flags: <defaults>
</compile_context>

<pallas_src>
import functools

import jax
import jax.numpy as jnp
from jax import lax
from jax.experimental import pallas as pl
from jax.experimental.pallas import tpu as pltpu
from jax.experimental.pallas import tpu_sc as plsc

NC = 2
NS = 16
NW = NC * NS
LANES = 16

CHUNK = 128


def _wid():
    return lax.axis_index("s") * NC + lax.axis_index("c")


def _sc_rows_body(n_pad, d, a_hbm, b_hbm, src_hbm, dst_hbm,
                  ones_hbm, zrow_hbm, out1_hbm, degp_hbm,
                  idxs0, idxd0, bufa0, bufb0,
                  ones_v, shared_deg, sa0, sb0):
    c = lax.axis_index("c")
    s = lax.axis_index("s")
    wid = _wid()
    rows_tile = n_pad // NS

    pltpu.sync_copy(ones_hbm, ones_v)
    pltpu.sync_copy(zrow_hbm, shared_deg.at[pl.ds(s * rows_tile, rows_tile)])
    plsc.subcore_barrier()

    nch = out1_hbm.shape[0] // CHUNK // NW

    def step(k, carry):
        base = (wid + k * NW) * CHUNK
        pltpu.sync_copy(src_hbm.at[pl.ds(base, CHUNK)], idxs0)
        pltpu.sync_copy(dst_hbm.at[pl.ds(base, CHUNK)], idxd0)
        ca = pltpu.async_copy(a_hbm.at[idxs0], bufa0, sa0)
        cb = pltpu.async_copy(b_hbm.at[idxd0], bufb0, sb0)
        ca.wait()
        cb.wait()

        def addrow(r, carry2):
            for q in range(8):
                sl = pl.ds(q * LANES, LANES)
                bufa0[r, sl] = bufa0[r, sl] + bufb0[r, sl]
            return carry2

        lax.fori_loop(0, CHUNK, addrow, 0)
        pltpu.sync_copy(bufa0, out1_hbm.at[pl.ds(base, CHUNK)])
        pltpu.sync_copy(ones_v, shared_deg.at[idxd0], add=True)
        return carry

    lax.fori_loop(0, nch, step, 0)
    plsc.subcore_barrier()
    sl = pl.ds(s * rows_tile, rows_tile)
    pltpu.sync_copy(shared_deg.at[sl], degp_hbm.at[c].at[sl])


def _sc_agg_body(n_pad, d, t_hbm, src_hbm, dst_hbm, zrow_hbm, g_hbm,
                 idxs0, idxd0, rows0, shared_g, sg0):
    c = lax.axis_index("c")
    s = lax.axis_index("s")
    wid = _wid()
    rows_tile = n_pad // NS

    pltpu.sync_copy(zrow_hbm, shared_g.at[pl.ds(s * rows_tile, rows_tile)])
    plsc.subcore_barrier()

    nch = src_hbm.shape[0] // CHUNK // NW

    def step(k, carry):
        base = (wid + k * NW) * CHUNK
        pltpu.sync_copy(src_hbm.at[pl.ds(base, CHUNK)], idxs0)
        pltpu.sync_copy(dst_hbm.at[pl.ds(base, CHUNK)], idxd0)
        pltpu.async_copy(t_hbm.at[idxs0], rows0, sg0).wait()
        pltpu.sync_copy(rows0, shared_g.at[idxd0], add=True)
        return carry

    lax.fori_loop(0, nch, step, 0)
    plsc.subcore_barrier()
    sl = pl.ds(s * rows_tile, rows_tile)
    pltpu.sync_copy(shared_g.at[sl], g_hbm.at[c].at[sl])


def _k_ab(x_ref, w1at_ref, w1bt_ref, a_ref, b_ref):
    xb = x_ref[...]
    a_ref[...] = jnp.dot(xb, w1at_ref[...], preferred_element_type=jnp.float32,
                 precision=lax.Precision.DEFAULT)
    b_ref[...] = jnp.dot(xb, w1bt_ref[...], preferred_element_type=jnp.float32,
                 precision=lax.Precision.DEFAULT)


def _k_prep(degp_ref, h0_ref, dinv_ref, t1_ref):
    dv = lax.rsqrt(degp_ref[0] + degp_ref[1] + 1.0)
    dinv_ref[...] = dv
    t1_ref[...] = h0_ref[...] * dv


def _k_low1(nblocks, t1_ref, g_ref, dinv_ref, out_ref, st_ref, acc):
    i = pl.program_id(0)
    o = dinv_ref[...] * (t1_ref[...] + g_ref[0] + g_ref[1])
    out_ref[...] = o
    ps = jnp.sum(o, axis=0, keepdims=True)
    pq = jnp.sum(o * o, axis=0, keepdims=True)

    @pl.when(i == 0)
    def _():
        acc[0:1] = ps
        acc[1:2] = pq

    @pl.when(i > 0)
    def _():
        acc[0:1] = acc[0:1] + ps
        acc[1:2] = acc[1:2] + pq

    @pl.when(i == nblocks - 1)
    def _():
        st_ref[...] = acc[...]


def _k_stats(nblocks, nrows, hi_ref, stlow_ref, bng_ref, bnb_ref, ab_ref, acc):
    i = pl.program_id(0)
    blk = hi_ref[...]
    ps = jnp.sum(blk, axis=0, keepdims=True)
    pq = jnp.sum(blk * blk, axis=0, keepdims=True)

    @pl.when(i == 0)
    def _():
        acc[0:1] = stlow_ref[0:1] + ps
        acc[1:2] = stlow_ref[1:2] + pq

    @pl.when(i > 0)
    def _():
        acc[0:1] = acc[0:1] + ps
        acc[1:2] = acc[1:2] + pq

    @pl.when(i == nblocks - 1)
    def _():
        inv_n = 1.0 / nrows
        mu = acc[0:1] * inv_n
        ex2 = acc[1:2] * inv_n
        var = ex2 - mu * mu
        alpha = bng_ref[...] * lax.rsqrt(var + 1e-5)
        beta = bnb_ref[...] - mu * alpha
        ab_ref[0:1] = alpha
        ab_ref[1:2] = beta


def _k_h2low(out1_ref, ab_ref, w2t_ref, dinv_ref, t2_ref):
    z = jnp.maximum(out1_ref[...] * ab_ref[0:1] + ab_ref[1:2], 0.0)
    h2 = jnp.dot(z, w2t_ref[...], preferred_element_type=jnp.float32,
                 precision=lax.Precision.DEFAULT)
    t2_ref[...] = h2 * dinv_ref[...]


def _ln_head(o2, lng_ref, lnb_ref, wlt_ref, bl_ref):
    mu = jnp.mean(o2, axis=1, keepdims=True)
    cc = o2 - mu
    var = jnp.mean(cc * cc, axis=1, keepdims=True)
    y = jnp.maximum(cc * lax.rsqrt(var + 1e-5) * lng_ref[...] + lnb_ref[...],
                    0.0)
    return jnp.dot(y, wlt_ref[...], preferred_element_type=jnp.float32,
                 precision=lax.Precision.DEFAULT) \
        + bl_ref[0, 0]


def _k_phase2(out1_ref, ab_ref, w2t_ref, b2_ref, lng_ref, lnb_ref, wlt_ref,
              bl_ref, out_ref):
    z = jnp.maximum(out1_ref[...] * ab_ref[0:1] + ab_ref[1:2], 0.0)
    h2 = jnp.dot(z, w2t_ref[...], preferred_element_type=jnp.float32,
                 precision=lax.Precision.DEFAULT)
    o2 = h2 + b2_ref[...]
    out_ref[...] = _ln_head(o2, lng_ref, lnb_ref, wlt_ref, bl_ref)


def _k_final(t2_ref, g_ref, dinv_ref, b2_ref, lng_ref, lnb_ref, wlt_ref,
             bl_ref, out_ref):
    o2 = dinv_ref[...] * (t2_ref[...] + g_ref[0] + g_ref[1]) + b2_ref[...]
    out_ref[...] = _ln_head(o2, lng_ref, lnb_ref, wlt_ref, bl_ref)


def kernel(x, edge_index, W1, b1, bn_g, bn_b, W2, b2, ln_g, ln_b, Wl, bl):
    del b1
    n, d = x.shape
    e = edge_index.shape[1]
    f32 = jnp.float32
    src = edge_index[0].astype(jnp.int32)
    dst = edge_index[1].astype(jnp.int32)

    w1at = W1[:, :d].T
    w1bt = W1[:, d:].T
    w2t = W2.T
    wlt = Wl.T
    bng2 = bn_g.reshape(1, d)
    bnb2 = bn_b.reshape(1, d)
    b22 = b2.reshape(1, d)
    lng2 = ln_g.reshape(1, d)
    lnb2 = ln_b.reshape(1, d)
    bl2 = bl.reshape(1, 1)

    npad = ((n + 8 * NS - 1) // (8 * NS)) * (8 * NS)
    rows_tile = npad // NS
    ones_d = jnp.ones((CHUNK, d), f32)
    zrow = jnp.zeros((rows_tile, d), f32)

    grp = NW * CHUNK
    q = -(-e // grp)
    q += q % 2
    epad = q * grp
    pad_ids = n + jnp.arange(epad - e, dtype=jnp.int32) % (npad - n)
    srcp = jnp.concatenate([src, pad_ids])
    dstp = jnp.concatenate([dst, pad_ids])

    mesh = plsc.VectorSubcoreMesh(core_axis_name="c", subcore_axis_name="s")

    nlb = n // 1000
    a_mat, b_mat = pl.pallas_call(
        _k_ab,
        grid=(nlb,),
        in_specs=[
            pl.BlockSpec((1000, d), lambda i: (i, 0)),
            pl.BlockSpec((d, d), lambda i: (0, 0)),
            pl.BlockSpec((d, d), lambda i: (0, 0)),
        ],
        out_specs=[
            pl.BlockSpec((1000, d), lambda i: (i, 0)),
            pl.BlockSpec((1000, d), lambda i: (i, 0)),
        ],
        out_shape=[jax.ShapeDtypeStruct((npad, d), f32),
                   jax.ShapeDtypeStruct((npad, d), f32)],
    )(x, w1at, w1bt)

    sc_rows = functools.partial(
        pl.kernel,
        out_type=(jax.ShapeDtypeStruct((epad, d), f32),
                  jax.ShapeDtypeStruct((NC, npad, d), f32)),
        mesh=mesh,
        scratch_types=[
            pltpu.VMEM((CHUNK,), jnp.int32),
            pltpu.VMEM((CHUNK,), jnp.int32),
            pltpu.VMEM((CHUNK, d), f32),
            pltpu.VMEM((CHUNK, d), f32),
            pltpu.VMEM((CHUNK, d), f32),
            pltpu.VMEM_SHARED((npad, d), f32),
            pltpu.SemaphoreType.DMA,
            pltpu.SemaphoreType.DMA,
        ],
    )(functools.partial(_sc_rows_body, npad, d))
    out1raw, degp = sc_rows(a_mat, b_mat, srcp, dstp, ones_d, zrow)

    dinvm, t1 = pl.pallas_call(
        _k_prep,
        grid=(nlb,),
        in_specs=[
            pl.BlockSpec((NC, 1000, d), lambda i: (0, i, 0)),
            pl.BlockSpec((1000, d), lambda i: (i, 0)),
        ],
        out_specs=[
            pl.BlockSpec((1000, d), lambda i: (i, 0)),
            pl.BlockSpec((1000, d), lambda i: (i, 0)),
        ],
        out_shape=[jax.ShapeDtypeStruct((npad, d), f32),
                   jax.ShapeDtypeStruct((npad, d), f32)],
    )(degp, out1raw)

    sc_agg = functools.partial(
        pl.kernel,
        out_type=jax.ShapeDtypeStruct((NC, npad, d), f32),
        mesh=mesh,
        scratch_types=[
            pltpu.VMEM((CHUNK,), jnp.int32),
            pltpu.VMEM((CHUNK,), jnp.int32),
            pltpu.VMEM((CHUNK, d), f32),
            pltpu.VMEM_SHARED((npad, d), f32),
            pltpu.SemaphoreType.DMA,
        ],
    )(functools.partial(_sc_agg_body, npad, d))
    g1 = sc_agg(t1, srcp, dstp, zrow)

    out1low, stlow = pl.pallas_call(
        functools.partial(_k_low1, nlb),
        grid=(nlb,),
        in_specs=[
            pl.BlockSpec((1000, d), lambda i: (i, 0)),
            pl.BlockSpec((NC, 1000, d), lambda i: (0, i, 0)),
            pl.BlockSpec((1000, d), lambda i: (i, 0)),
        ],
        out_specs=[
            pl.BlockSpec((1000, d), lambda i: (i, 0)),
            pl.BlockSpec((2, d), lambda i: (0, 0)),
        ],
        out_shape=[jax.ShapeDtypeStruct((n, d), f32),
                   jax.ShapeDtypeStruct((2, d), f32)],
        scratch_shapes=[pltpu.VMEM((2, d), f32)],
    )(t1, g1, dinvm)

    nhb = (e - n) // 1000
    ab = pl.pallas_call(
        functools.partial(_k_stats, nhb, float(e)),
        grid=(nhb,),
        in_specs=[
            pl.BlockSpec((1000, d), lambda i: (i + nlb, 0)),
            pl.BlockSpec((2, d), lambda i: (0, 0)),
            pl.BlockSpec((1, d), lambda i: (0, 0)),
            pl.BlockSpec((1, d), lambda i: (0, 0)),
        ],
        out_specs=pl.BlockSpec((2, d), lambda i: (0, 0)),
        out_shape=jax.ShapeDtypeStruct((2, d), f32),
        scratch_shapes=[pltpu.VMEM((2, d), f32)],
    )(out1raw, stlow, bng2, bnb2)

    t2 = pl.pallas_call(
        _k_h2low,
        grid=(nlb,),
        in_specs=[
            pl.BlockSpec((1000, d), lambda i: (i, 0)),
            pl.BlockSpec((2, d), lambda i: (0, 0)),
            pl.BlockSpec((d, d), lambda i: (0, 0)),
            pl.BlockSpec((1000, d), lambda i: (i, 0)),
        ],
        out_specs=pl.BlockSpec((1000, d), lambda i: (i, 0)),
        out_shape=jax.ShapeDtypeStruct((npad, d), f32),
    )(out1low, ab, w2t, dinvm)

    g2 = sc_agg(t2, srcp, dstp, zrow)

    hi = pl.pallas_call(
        _k_phase2,
        grid=(nhb,),
        in_specs=[
            pl.BlockSpec((1000, d), lambda i: (i + nlb, 0)),
            pl.BlockSpec((2, d), lambda i: (0, 0)),
            pl.BlockSpec((d, d), lambda i: (0, 0)),
            pl.BlockSpec((1, d), lambda i: (0, 0)),
            pl.BlockSpec((1, d), lambda i: (0, 0)),
            pl.BlockSpec((1, d), lambda i: (0, 0)),
            pl.BlockSpec((d, 1), lambda i: (0, 0)),
            pl.BlockSpec((1, 1), lambda i: (0, 0)),
        ],
        out_specs=pl.BlockSpec((1000, 1), lambda i: (i, 0)),
        out_shape=jax.ShapeDtypeStruct((e - n, 1), f32),
    )(out1raw, ab, w2t, b22, lng2, lnb2, wlt, bl2)

    low = pl.pallas_call(
        _k_final,
        grid=(nlb,),
        in_specs=[
            pl.BlockSpec((1000, d), lambda i: (i, 0)),
            pl.BlockSpec((NC, 1000, d), lambda i: (0, i, 0)),
            pl.BlockSpec((1000, d), lambda i: (i, 0)),
            pl.BlockSpec((1, d), lambda i: (0, 0)),
            pl.BlockSpec((1, d), lambda i: (0, 0)),
            pl.BlockSpec((1, d), lambda i: (0, 0)),
            pl.BlockSpec((d, 1), lambda i: (0, 0)),
            pl.BlockSpec((1, 1), lambda i: (0, 0)),
        ],
        out_specs=pl.BlockSpec((1000, 1), lambda i: (i, 0)),
        out_shape=jax.ShapeDtypeStruct((n, 1), f32),
    )(t2, g2, dinvm, b22, lng2, lnb2, wlt, bl2)

    return jnp.concatenate([low[:, 0], hi[:, 0]])

# --- scband reference (transcript-rebuilt; emitter-appended) ---
"""Pipeline reference for scband-edge-weight-predictor-27874337751634 (READ-ONLY COPY).

The authoritative reference and input builder live on the scoring server;
editing this copy changes nothing except your own understanding.
"""

import jax, jax.numpy as jnp
import numpy as np

N_NODES = 10000
N_EDGES = 320000
D = 128


def gcn_conv(x, src, dst, W, b):
    # GCNConv (PyG-style): linear transform, add self-loops, symmetric normalization, sum aggregation
    n = x.shape[0]
    h = x @ W.T
    loop = jnp.arange(n, dtype=src.dtype)
    s = jnp.concatenate([src, loop])
    d = jnp.concatenate([dst, loop])
    deg = jax.ops.segment_sum(jnp.ones_like(d, dtype=h.dtype), d, num_segments=n)
    dinv = jnp.where(deg > 0, deg ** -0.5, 0.0)
    norm = dinv[s] * dinv[d]
    out = jax.ops.segment_sum(h[s] * norm[:, None], d, num_segments=n)
    return out + b


def setup_inputs(seed: int = 0) -> dict:
    key = jax.random.key(seed)
    ks = jax.random.split(key, 8)
    x = jax.random.normal(ks[0], (N_NODES, D), dtype=jnp.float32)
    edge_index = jax.random.randint(ks[1], (2, N_EDGES), 0, N_NODES, dtype=jnp.int64)
    # GCNConv1: in=2*D -> out=D
    W1 = jax.random.normal(ks[2], (D, 2 * D), dtype=jnp.float32) * (1.0 / np.sqrt(2 * D))
    b1 = jnp.zeros((D,), dtype=jnp.float32)
    bn_g = jnp.ones((D,), dtype=jnp.float32)
    bn_b = jnp.zeros((D,), dtype=jnp.float32)
    # GCNConv2: in=D -> out=D
    W2 = jax.random.normal(ks[3], (D, D), dtype=jnp.float32) * (1.0 / np.sqrt(D))
    b2 = jnp.zeros((D,), dtype=jnp.float32)
    ln_g = jnp.ones((D,), dtype=jnp.float32)
    ln_b = jnp.zeros((D,), dtype=jnp.float32)
    Wl = jax.random.normal(ks[4], (1, D), dtype=jnp.float32) * (1.0 / np.sqrt(D))
    bl = jnp.zeros((1,), dtype=jnp.float32)
    return {"x": x, "edge_index": edge_index, "W1": W1, "b1": b1, "bn_g": bn_g,
            "bn_b": bn_b, "W2": W2, "b2": b2, "ln_g": ln_g, "ln_b": ln_b,
            "Wl": Wl, "bl": bl}


def reference(x, edge_index, W1, b1, bn_g, bn_b, W2, b2, ln_g, ln_b, Wl, bl):
    src = edge_index[0]
    dst = edge_index[1]
    # edge features: gather endpoints and concat -> [E, 2D]
    ef = jnp.concatenate([x[src], x[dst]], axis=1)
    # conv over the E-row tensor using the same edge_index (as in the original module)
    h = gcn_conv(ef, src, dst, W1, b1)
    # BatchNorm1d (training-mode batch statistics)
    mu = jnp.mean(h, axis=0)
    var = jnp.var(h, axis=0)
    h = (h - mu) / jnp.sqrt(var + 1e-5) * bn_g + bn_b
    h = jax.nn.relu(h)
    h = gcn_conv(h, src, dst, W2, b2)
    # LayerNorm over last dim
    mu2 = jnp.mean(h, axis=-1, keepdims=True)
    var2 = jnp.var(h, axis=-1, keepdims=True)
    h = (h - mu2) / jnp.sqrt(var2 + 1e-5) * ln_g + ln_b
    h = jax.nn.relu(h)
    out = h @ Wl.T + bl
    return jnp.squeeze(out)

if __name__ == "__main__":
    import jax
    _d = setup_inputs()
    print(jax.jit(kernel)(*tuple(_d.values())))

</pallas_src>

<mosaic_0001>
#map = affine_map<(d0, d1) -> (0, 0)>
#map1 = affine_map<(d0, d1) -> (0)>
#map2 = affine_map<(d0, d1) -> (0, 0, 0)>
module attributes {stable_mosaic.version = 14 : i64} {
  func.func @_sc_rows_body(%arg0: i32, %arg1: i32, %arg2: memref<10112x128xf32, #tpu.memory_space<hbm>>, %arg3: memref<10112x128xf32, #tpu.memory_space<hbm>>, %arg4: memref<327680xi32, #tpu.memory_space<hbm>>, %arg5: memref<327680xi32, #tpu.memory_space<hbm>>, %arg6: memref<128x128xf32, #tpu.memory_space<hbm>>, %arg7: memref<632x128xf32, #tpu.memory_space<hbm>>, %arg8: memref<327680x128xf32, #tpu.memory_space<hbm>>, %arg9: memref<2x10112x128xf32, #tpu.memory_space<hbm>>, %arg10: memref<128xi32, #tpu.memory_space<vmem>>, %arg11: memref<128xi32, #tpu.memory_space<vmem>>, %arg12: memref<128x128xf32, #tpu.memory_space<vmem>>, %arg13: memref<128x128xf32, #tpu.memory_space<vmem>>, %arg14: memref<128x128xf32, #tpu.memory_space<vmem>>, %arg15: memref<10112x128xf32, #tpu.memory_space<vmem_shared>>, %arg16: memref<!tpu.dma_semaphore, #tpu.memory_space<semaphore_mem>>, %arg17: memref<!tpu.dma_semaphore, #tpu.memory_space<semaphore_mem>>) attributes {dimension_semantics = [#tpu.dimension_semantics<core_parallel>, #tpu.dimension_semantics<subcore_parallel>], iteration_bounds = array<i64: 2, 16>, scalar_prefetch = 0 : i64, scratch_operands = 8 : i64, tpu.core_type = #tpu.core_type<sc_vector_subcore>, window_params = [{transform_indices = #map}, {transform_indices = #map}, {transform_indices = #map1}, {transform_indices = #map1}, {transform_indices = #map}, {transform_indices = #map}, {transform_indices = #map}, {transform_indices = #map2}]} {
    %mul3A = arith.constant 2 : i32
    %mul3A_0 = arith.muli %arg1, %mul3A : i32
    %add3A = arith.addi %mul3A_0, %arg0 : i32
    "tpu.region"() ({
      %run_scoped3A = tpu.sem_alloc : memref<!tpu.dma_semaphore, #tpu.memory_space<semaphore_mem>>
      tpu.enqueue_dma source(%arg6 : memref<128x128xf32, #tpu.memory_space<hbm>>) target(%arg14 : memref<128x128xf32, #tpu.memory_space<vmem>>) target_semaphore(%run_scoped3A : memref<!tpu.dma_semaphore, #tpu.memory_space<semaphore_mem>>)
      tpu.wait_dma2 semaphore(%run_scoped3A : memref<!tpu.dma_semaphore, #tpu.memory_space<semaphore_mem>>) src(%arg6 : memref<128x128xf32, #tpu.memory_space<hbm>>) dst(%arg14 : memref<128x128xf32, #tpu.memory_space<vmem>>)
      tpu.yield
    }) : () -> ()
    %mul3A_1 = arith.constant 632 : i32
    %mul3A_2 = arith.muli %arg1, %mul3A_1 : i32
    "tpu.region"() ({
      %run_scoped3A = tpu.sem_alloc : memref<!tpu.dma_semaphore, #tpu.memory_space<semaphore_mem>>
      %dma_start3A = arith.constant 0 : i32
      %dma_start3A_11 = tpu.memref_slice %arg15[%mul3A_2, %dma_start3A] : memref<10112x128xf32, #tpu.memory_space<vmem_shared>> -> memref<632x128xf32, #tpu.memory_space<vmem_shared>>
      tpu.enqueue_dma source(%arg7 : memref<632x128xf32, #tpu.memory_space<hbm>>) target(%dma_start3A_11 : memref<632x128xf32, #tpu.memory_space<vmem_shared>>) target_semaphore(%run_scoped3A : memref<!tpu.dma_semaphore, #tpu.memory_space<semaphore_mem>>)
      %dma_wait3A = arith.constant 0 : i32
      %dma_wait3A_12 = tpu.memref_slice %arg15[%mul3A_2, %dma_wait3A] : memref<10112x128xf32, #tpu.memory_space<vmem_shared>> -> memref<632x128xf32, #tpu.memory_space<vmem_shared>>
      tpu.wait_dma2 semaphore(%run_scoped3A : memref<!tpu.dma_semaphore, #tpu.memory_space<semaphore_mem>>) src(%arg7 : memref<632x128xf32, #tpu.memory_space<hbm>>) dst(%dma_wait3A_12 : memref<632x128xf32, #tpu.memory_space<vmem_shared>>)
      tpu.yield
    }) : () -> ()
    %barrier3A = arith.constant 0 : index
    tpu.barrier barrier_id(%barrier3A)
    %scan3A = arith.constant 0 : i32
    %scan3A_3 = arith.constant 0 : i32
    %scan3A_4 = arith.constant 80 : i32
    %scan3A_5 = arith.addi %scan3A_3, %scan3A_4 : i32
    %scan3A_6 = arith.constant 1 : i32
    scf.for %scan3A_11 = %scan3A_3 to %scan3A_5 step %scan3A_6  : i32 {
      %mul3A_12 = arith.constant 32 : i32
      %mul3A_13 = arith.muli %scan3A_11, %mul3A_12 : i32
      %add3A_14 = arith.addi %add3A, %mul3A_13 : i32
      %mul3A_15 = arith.constant 128 : i32
      %mul3A_16 = arith.muli %add3A_14, %mul3A_15 : i32
      "tpu.region"() ({
        %run_scoped3A = tpu.sem_alloc : memref<!tpu.dma_semaphore, #tpu.memory_space<semaphore_mem>>
        %dma_start3A_33 = tpu.memref_slice %arg4[%mul3A_16] : memref<327680xi32, #tpu.memory_space<hbm>> -> memref<128xi32, #tpu.memory_space<hbm>>
        %dma_start3A_34 = tpu.memref_slice %arg4[%mul3A_16] : memref<327680xi32, #tpu.memory_space<hbm>> -> memref<128xi32, #tpu.memory_space<hbm>>
        tpu.enqueue_dma source(%dma_start3A_34 : memref<128xi32, #tpu.memory_space<hbm>>) target(%arg10 : memref<128xi32, #tpu.memory_space<vmem>>) target_semaphore(%run_scoped3A : memref<!tpu.dma_semaphore, #tpu.memory_space<semaphore_mem>>)
        %dma_wait3A_35 = tpu.memref_slice %arg4[%mul3A_16] : memref<327680xi32, #tpu.memory_space<hbm>> -> memref<128xi32, #tpu.memory_space<hbm>>
        %dma_wait3A_36 = tpu.memref_slice %arg4[%mul3A_16] : memref<327680xi32, #tpu.memory_space<hbm>> -> memref<128xi32, #tpu.memory_space<hbm>>
        tpu.wait_dma2 semaphore(%run_scoped3A : memref<!tpu.dma_semaphore, #tpu.memory_space<semaphore_mem>>) src(%dma_wait3A_36 : memref<128xi32, #tpu.memory_space<hbm>>) dst(%arg10 : memref<128xi32, #tpu.memory_space<vmem>>)
        tpu.yield
      }) : () -> ()
      "tpu.region"() ({
        %run_scoped3A = tpu.sem_alloc : memref<!tpu.dma_semaphore, #tpu.memory_space<semaphore_mem>>
        %dma_start3A_33 = tpu.memref_slice %arg5[%mul3A_16] : memref<327680xi32, #tpu.memory_space<hbm>> -> memref<128xi32, #tpu.memory_space<hbm>>
        %dma_start3A_34 = tpu.memref_slice %arg5[%mul3A_16] : memref<327680xi32, #tpu.memory_space<hbm>> -> memref<128xi32, #tpu.memory_space<hbm>>
        tpu.enqueue_dma source(%dma_start3A_34 : memref<128xi32, #tpu.memory_space<hbm>>) target(%arg11 : memref<128xi32, #tpu.memory_space<vmem>>) target_semaphore(%run_scoped3A : memref<!tpu.dma_semaphore, #tpu.memory_space<semaphore_mem>>)
        %dma_wait3A_35 = tpu.memref_slice %arg5[%mul3A_16] : memref<327680xi32, #tpu.memory_space<hbm>> -> memref<128xi32, #tpu.memory_space<hbm>>
        %dma_wait3A_36 = tpu.memref_slice %arg5[%mul3A_16] : memref<327680xi32, #tpu.memory_space<hbm>> -> memref<128xi32, #tpu.memory_space<hbm>>
        tpu.wait_dma2 semaphore(%run_scoped3A : memref<!tpu.dma_semaphore, #tpu.memory_space<semaphore_mem>>) src(%dma_wait3A_36 : memref<128xi32, #tpu.memory_space<hbm>>) dst(%arg11 : memref<128xi32, #tpu.memory_space<vmem>>)
        tpu.yield
      }) : () -> ()
      %dma_start3A = arith.constant 0 : i32
      %dma_start3A_17 = arith.constant 0 : i32
      %dma_start3A_18 = tpu.memref_slice %arg2[%dma_start3A, %dma_start3A_17] : memref<10112x128xf32, #tpu.memory_space<hbm>> -> memref<10112x128xf32, #tpu.memory_space<hbm>>
      tpu.enqueue_indirect_dma source(%dma_start3A_18 : memref<10112x128xf32, #tpu.memory_space<hbm>>) target(%arg12 : memref<128x128xf32, #tpu.memory_space<vmem>>) offsets(%arg10 : memref<128xi32, #tpu.memory_space<vmem>>) semaphore(%arg16 : memref<!tpu.dma_semaphore, #tpu.memory_space<semaphore_mem>>)
      %dma_start3A_19 = arith.constant 0 : i32
      %dma_start3A_20 = arith.constant 0 : i32
      %dma_start3A_21 = tpu.memref_slice %arg3[%dma_start3A_19, %dma_start3A_20] : memref<10112x128xf32, #tpu.memory_space<hbm>> -> memref<10112x128xf32, #tpu.memory_space<hbm>>
      tpu.enqueue_indirect_dma source(%dma_start3A_21 : memref<10112x128xf32, #tpu.memory_space<hbm>>) target(%arg13 : memref<128x128xf32, #tpu.memory_space<vmem>>) offsets(%arg11 : memref<128xi32, #tpu.memory_space<vmem>>) semaphore(%arg17 : memref<!tpu.dma_semaphore, #tpu.memory_space<semaphore_mem>>)
      %dma_wait3A = arith.constant 0 : i32
      %dma_wait3A_22 = arith.constant 0 : i32
      %dma_wait3A_23 = tpu.memref_slice %arg2[%dma_wait3A, %dma_wait3A_22] : memref<10112x128xf32, #tpu.memory_space<hbm>> -> memref<10112x128xf32, #tpu.memory_space<hbm>>
      tpu.wait_indirect_dma semaphore(%arg16 : memref<!tpu.dma_semaphore, #tpu.memory_space<semaphore_mem>>) src(%dma_wait3A_23 : memref<10112x128xf32, #tpu.memory_space<hbm>>) dst(%arg12 : memref<128x128xf32, #tpu.memory_space<vmem>>)
      %dma_wait3A_24 = arith.constant 0 : i32
      %dma_wait3A_25 = arith.constant 0 : i32
      %dma_wait3A_26 = tpu.memref_slice %arg3[%dma_wait3A_24, %dma_wait3A_25] : memref<10112x128xf32, #tpu.memory_space<hbm>> -> memref<10112x128xf32, #tpu.memory_space<hbm>>
      tpu.wait_indirect_dma semaphore(%arg17 : memref<!tpu.dma_semaphore, #tpu.memory_space<semaphore_mem>>) src(%dma_wait3A_26 : memref<10112x128xf32, #tpu.memory_space<hbm>>) dst(%arg13 : memref<128x128xf32, #tpu.memory_space<vmem>>)
      %scan3A_27 = arith.constant 0 : i32
      %scan3A_28 = arith.constant 0 : i32
      %scan3A_29 = arith.constant 128 : i32
      %scan3A_30 = arith.addi %scan3A_28, %scan3A_29 : i32
      %scan3A_31 = arith.constant 1 : i32
      scf.for %scan3A_33 = %scan3A_28 to %scan3A_30 step %scan3A_31  : i32 {
        %get3A = arith.index_cast %scan3A_33 : i32 to index
        %get3A_34 = arith.constant 0 : index
        %get3A_35 = tpu.vector_load %arg12[%get3A, %get3A_34] {strides = array<i32>} : memref<128x128xf32, #tpu.memory_space<vmem>>, vector<1x16xf32>,
        %get3A_36 = vector.shape_cast %get3A_35 : vector<1x16xf32> to vector<16xf32>
        %get3A_37 = arith.index_cast %scan3A_33 : i32 to index
        %get3A_38 = arith.constant 0 : index
        %get3A_39 = tpu.vector_load %arg13[%get3A_37, %get3A_38] {strides = array<i32>} : memref<128x128xf32, #tpu.memory_space<vmem>>, vector<1x16xf32>,
        %get3A_40 = vector.shape_cast %get3A_39 : vector<1x16xf32> to vector<16xf32>
        %add3A_41 = arith.addf %get3A_36, %get3A_40 : vector<16xf32>
        %swap3A = arith.index_cast %scan3A_33 : i32 to index
        %swap3A_42 = arith.constant 0 : index
        %swap3A_43 = tpu.vector_load %arg12[%swap3A, %swap3A_42] {strides = array<i32>} : memref<128x128xf32, #tpu.memory_space<vmem>>, vector<1x16xf32>,
        %swap3A_44 = vector.shape_cast %swap3A_43 : vector<1x16xf32> to vector<16xf32>
        %swap3A_45 = vector.shape_cast %add3A_41 : vector<16xf32> to vector<1x16xf32>
        tpu.vector_store %arg12[%swap3A, %swap3A_42], %swap3A_45 {strides = array<i32>} : memref<128x128xf32, #tpu.memory_space<vmem>>, vector<1x16xf32>,
        %get3A_46 = arith.index_cast %scan3A_33 : i32 to index
        %get3A_47 = arith.constant 16 : index
        %get3A_48 = tpu.vector_load %arg12[%get3A_46, %get3A_47] {strides = array<i32>} : memref<128x128xf32, #tpu.memory_space<vmem>>, vector<1x16xf32>,
        %get3A_49 = vector.shape_cast %get3A_48 : vector<1x16xf32> to vector<16xf32>
        %get3A_50 = arith.index_cast %scan3A_33 : i32 to index
        %get3A_51 = arith.constant 16 : index
        %get3A_52 = tpu.vector_load %arg13[%get3A_50, %get3A_51] {strides = array<i32>} : memref<128x128xf32, #tpu.memory_space<vmem>>, vector<1x16xf32>,
        %get3A_53 = vector.shape_cast %get3A_52 : vector<1x16xf32> to vector<16xf32>
        %add3A_54 = arith.addf %get3A_49, %get3A_53 : vector<16xf32>
        %swap3A_55 = arith.index_cast %scan3A_33 : i32 to index
        %swap3A_56 = arith.constant 16 : index
        %swap3A_57 = tpu.vector_load %arg12[%swap3A_55, %swap3A_56] {strides = array<i32>} : memref<128x128xf32, #tpu.memory_space<vmem>>, vector<1x16xf32>,
        %swap3A_58 = vector.shape_cast %swap3A_57 : vector<1x16xf32> to vector<16xf32>
        %swap3A_59 = vector.shape_cast %add3A_54 : vector<16xf32> to vector<1x16xf32>
        tpu.vector_store %arg12[%swap3A_55, %swap3A_56], %swap3A_59 {strides = array<i32>} : memref<128x128xf32, #tpu.memory_space<vmem>>, vector<1x16xf32>,
        %get3A_60 = arith.index_cast %scan3A_33 : i32 to index
        %get3A_61 = arith.constant 32 : index
        %get3A_62 = tpu.vector_load %arg12[%get3A_60, %get3A_61] {strides = array<i32>} : memref<128x128xf32, #tpu.memory_space<vmem>>, vector<1x16xf32>,
        %get3A_63 = vector.shape_cast %get3A_62 : vector<1x16xf32> to vector<16xf32>
        %get3A_64 = arith.index_cast %scan3A_33 : i32 to index
        %get3A_65 = arith.constant 32 : index
        %get3A_66 = tpu.vector_load %arg13[%get3A_64, %get3A_65] {strides = array<i32>} : memref<128x128xf32, #tpu.memory_space<vmem>>, vector<1x16xf32>,
        %get3A_67 = vector.shape_cast %get3A_66 : vector<1x16xf32> to vector<16xf32>
        %add3A_68 = arith.addf %get3A_63, %get3A_67 : vector<16xf32>
        %swap3A_69 = arith.index_cast %scan3A_33 : i32 to index
        %swap3A_70 = arith.constant 32 : index
        %swap3A_71 = tpu.vector_load %arg12[%swap3A_69, %swap3A_70] {strides = array<i32>} : memref<128x128xf32, #tpu.memory_space<vmem>>, vector<1x16xf32>,
        %swap3A_72 = vector.shape_cast %swap3A_71 : vector<1x16xf32> to vector<16xf32>
        %swap3A_73 = vector.shape_cast %add3A_68 : vector<16xf32> to vector<1x16xf32>
        tpu.vector_store %arg12[%swap3A_69, %swap3A_70], %swap3A_73 {strides = array<i32>} : memref<128x128xf32, #tpu.memory_space<vmem>>, vector<1x16xf32>,
        %get3A_74 = arith.index_cast %scan3A_33 : i32 to index
        %get3A_75 = arith.constant 48 : index
        %get3A_76 = tpu.vector_load %arg12[%get3A_74, %get3A_75] {strides = array<i32>} : memref<128x128xf32, #tpu.memory_space<vmem>>, vector<1x16xf32>,
        %get3A_77 = vector.shape_cast %get3A_76 : vector<1x16xf32> to vector<16xf32>
        %get3A_78 = arith.index_cast %scan3A_33 : i32 to index
        %get3A_79 = arith.constant 48 : index
        %get3A_80 = tpu.vector_load %arg13[%get3A_78, %get3A_79] {strides = array<i32>} : memref<128x128xf32, #tpu.memory_space<vmem>>, vector<1x16xf32>,
        %get3A_81 = vector.shape_cast %get3A_80 : vector<1x16xf32> to vector<16xf32>
        %add3A_82 = arith.addf %get3A_77, %get3A_81 : vector<16xf32>
        %swap3A_83 = arith.index_cast %scan3A_33 : i32 to index
        %swap3A_84 = arith.constant 48 : index
        %swap3A_85 = tpu.vector_load %arg12[%swap3A_83, %swap3A_84] {strides = array<i32>} : memref<128x128xf32, #tpu.memory_space<vmem>>, vector<1x16xf32>,
        %swap3A_86 = vector.shape_cast %swap3A_85 : vector<1x16xf32> to vector<16xf32>
        %swap3A_87 = vector.shape_cast %add3A_82 : vector<16xf32> to vector<1x16xf32>
        tpu.vector_store %arg12[%swap3A_83, %swap3A_84], %swap3A_87 {strides = array<i32>} : memref<128x128xf32, #tpu.memory_space<vmem>>, vector<1x16xf32>,
        %get3A_88 = arith.index_cast %scan3A_33 : i32 to index
        %get3A_89 = arith.constant 64 : index
        %get3A_90 = tpu.vector_load %arg12[%get3A_88, %get3A_89] {strides = array<i32>} : memref<128x128xf32, #tpu.memory_space<vmem>>, vector<1x16xf32>,
        %get3A_91 = vector.shape_cast %get3A_90 : vector<1x16xf32> to vector<16xf32>
        %get3A_92 = arith.index_cast %scan3A_33 : i32 to index
        %get3A_93 = arith.constant 64 : index
        %get3A_94 = tpu.vector_load %arg13[%get3A_92, %get3A_93] {strides = array<i32>} : memref<128x128xf32, #tpu.memory_space<vmem>>, vector<1x16xf32>,
        %get3A_95 = vector.shape_cast %get3A_94 : vector<1x16xf32> to vector<16xf32>
        %add3A_96 = arith.addf %get3A_91, %get3A_95 : vector<16xf32>
        %swap3A_97 = arith.index_cast %scan3A_33 : i32 to index
        %swap3A_98 = arith.constant 64 : index
        %swap3A_99 = tpu.vector_load %arg12[%swap3A_97, %swap3A_98] {strides = array<i32>} : memref<128x128xf32, #tpu.memory_space<vmem>>, vector<1x16xf32>,
        %swap3A_100 = vector.shape_cast %swap3A_99 : vector<1x16xf32> to vector<16xf32>
        %swap3A_101 = vector.shape_cast %add3A_96 : vector<16xf32> to vector<1x16xf32>
        tpu.vector_store %arg12[%swap3A_97, %swap3A_98], %swap3A_101 {strides = array<i32>} : memref<128x128xf32, #tpu.memory_space<vmem>>, vector<1x16xf32>,
        %get3A_102 = arith.index_cast %scan3A_33 : i32 to index
        %get3A_103 = arith.constant 80 : index
        %get3A_104 = tpu.vector_load %arg12[%get3A_102, %get3A_103] {strides = array<i32>} : memref<128x128xf32, #tpu.memory_space<vmem>>, vector<1x16xf32>,
        %get3A_105 = vector.shape_cast %get3A_104 : vector<1x16xf32> to vector<16xf32>
        %get3A_106 = arith.index_cast %scan3A_33 : i32 to index
        %get3A_107 = arith.constant 80 : index
        %get3A_108 = tpu.vector_load %arg13[%get3A_106, %get3A_107] {strides = array<i32>} : memref<128x128xf32, #tpu.memory_space<vmem>>, vector<1x16xf32>,
        %get3A_109 = vector.shape_cast %get3A_108 : vector<1x16xf32> to vector<16xf32>
        %add3A_110 = arith.addf %get3A_105, %get3A_109 : vector<16xf32>
        %swap3A_111 = arith.index_cast %scan3A_33 : i32 to index
        %swap3A_112 = arith.constant 80 : index
        %swap3A_113 = tpu.vector_load %arg12[%swap3A_111, %swap3A_112] {strides = array<i32>} : memref<128x128xf32, #tpu.memory_space<vmem>>, vector<1x16xf32>,
        %swap3A_114 = vector.shape_cast %swap3A_113 : vector<1x16xf32> to vector<16xf32>
        %swap3A_115 = vector.shape_cast %add3A_110 : vector<16xf32> to vector<1x16xf32>
        tpu.vector_store %arg12[%swap3A_111, %swap3A_112], %swap3A_115 {strides = array<i32>} : memref<128x128xf32, #tpu.memory_space<vmem>>, vector<1x16xf32>,
        %get3A_116 = arith.index_cast %scan3A_33 : i32 to index
        %get3A_117 = arith.constant 96 : index
        %get3A_118 = tpu.vector_load %arg12[%get3A_116, %get3A_117] {strides = array<i32>} : memref<128x128xf32, #tpu.memory_space<vmem>>, vector<1x16xf32>,
        %get3A_119 = vector.shape_cast %get3A_118 : vector<1x16xf32> to vector<16xf32>
        %get3A_120 = arith.index_cast %scan3A_33 : i32 to index
        %get3A_121 = arith.constant 96 : index
        %get3A_122 = tpu.vector_load %arg13[%get3A_120, %get3A_121] {strides = array<i32>} : memref<128x128xf32, #tpu.memory_space<vmem>>, vector<1x16xf32>,
        %get3A_123 = vector.shape_cast %get3A_122 : vector<1x16xf32> to vector<16xf32>
        %add3A_124 = arith.addf %get3A_119, %get3A_123 : vector<16xf32>
        %swap3A_125 = arith.index_cast %scan3A_33 : i32 to index
        %swap3A_126 = arith.constant 96 : index
        %swap3A_127 = tpu.vector_load %arg12[%swap3A_125, %swap3A_126] {strides = array<i32>} : memref<128x128xf32, #tpu.memory_space<vmem>>, vector<1x16xf32>,
        %swap3A_128 = vector.shape_cast %swap3A_127 : vector<1x16xf32> to vector<16xf32>
        %swap3A_129 = vector.shape_cast %add3A_124 : vector<16xf32> to vector<1x16xf32>
        tpu.vector_store %arg12[%swap3A_125, %swap3A_126], %swap3A_129 {strides = array<i32>} : memref<128x128xf32, #tpu.memory_space<vmem>>, vector<1x16xf32>,
        %get3A_130 = arith.index_cast %scan3A_33 : i32 to index
        %get3A_131 = arith.constant 112 : index
        %get3A_132 = tpu.vector_load %arg12[%get3A_130, %get3A_131] {strides = array<i32>} : memref<128x128xf32, #tpu.memory_space<vmem>>, vector<1x16xf32>,
        %get3A_133 = vector.shape_cast %get3A_132 : vector<1x16xf32> to vector<16xf32>
        %get3A_134 = arith.index_cast %scan3A_33 : i32 to index
        %get3A_135 = arith.constant 112 : index
        %get3A_136 = tpu.vector_load %arg13[%get3A_134, %get3A_135] {strides = array<i32>} : memref<128x128xf32, #tpu.memory_space<vmem>>, vector<1x16xf32>,
        %get3A_137 = vector.shape_cast %get3A_136 : vector<1x16xf32> to vector<16xf32>
        %add3A_138 = arith.addf %get3A_133, %get3A_137 : vector<16xf32>
        %swap3A_139 = arith.index_cast %scan3A_33 : i32 to index
        %swap3A_140 = arith.constant 112 : index
        %swap3A_141 = tpu.vector_load %arg12[%swap3A_139, %swap3A_140] {strides = array<i32>} : memref<128x128xf32, #tpu.memory_space<vmem>>, vector<1x16xf32>,
        %swap3A_142 = vector.shape_cast %swap3A_141 : vector<1x16xf32> to vector<16xf32>
        %swap3A_143 = vector.shape_cast %add3A_138 : vector<16xf32> to vector<1x16xf32>
        tpu.vector_store %arg12[%swap3A_139, %swap3A_140], %swap3A_143 {strides = array<i32>} : memref<128x128xf32, #tpu.memory_space<vmem>>, vector<1x16xf32>,
      }
      %scan3A_32 = arith.constant 128 : i32
      "tpu.region"() ({
        %run_scoped3A = tpu.sem_alloc : memref<!tpu.dma_semaphore, #tpu.memory_space<semaphore_mem>>
        %dma_start3A_33 = arith.constant 0 : i32
        %dma_start3A_34 = tpu.memref_slice %arg8[%mul3A_16, %dma_start3A_33] : memref<327680x128xf32, #tpu.memory_space<hbm>> -> memref<128x128xf32, #tpu.memory_space<hbm>>
        %dma_start3A_35 = arith.constant 0 : i32
        %dma_start3A_36 = tpu.memref_slice %arg8[%mul3A_16, %dma_start3A_35] : memref<327680x128xf32, #tpu.memory_space<hbm>> -> memref<128x128xf32, #tpu.memory_space<hbm>>
        tpu.enqueue_dma source(%arg12 : memref<128x128xf32, #tpu.memory_space<vmem>>) target(%dma_start3A_36 : memref<128x128xf32, #tpu.memory_space<hbm>>) target_semaphore(%run_scoped3A : memref<!tpu.dma_semaphore, #tpu.memory_space<semaphore_mem>>)
        %dma_wait3A_37 = arith.constant 0 : i32
        %dma_wait3A_38 = tpu.memref_slice %arg8[%mul3A_16, %dma_wait3A_37] : memref<327680x128xf32, #tpu.memory_space<hbm>> -> memref<128x128xf32, #tpu.memory_space<hbm>>
        %dma_wait3A_39 = arith.constant 0 : i32
        %dma_wait3A_40 = tpu.memref_slice %arg8[%mul3A_16, %dma_wait3A_39] : memref<327680x128xf32, #tpu.memory_space<hbm>> -> memref<128x128xf32, #tpu.memory_space<hbm>>
        tpu.wait_dma2 semaphore(%run_scoped3A : memref<!tpu.dma_semaphore, #tpu.memory_space<semaphore_mem>>) src(%arg12 : memref<128x128xf32, #tpu.memory_space<vmem>>) dst(%dma_wait3A_40 : memref<128x128xf32, #tpu.memory_space<hbm>>)
        tpu.yield
      }) : () -> ()
      "tpu.region"() ({
        %run_scoped3A = tpu.sem_alloc : memref<!tpu.dma_semaphore, #tpu.memory_space<semaphore_mem>>
        %dma_start3A_33 = arith.constant 0 : i32
        %dma_start3A_34 = arith.constant 0 : i32
        %dma_start3A_35 = tpu.memref_slice %arg15[%dma_start3A_33, %dma_start3A_34] : memref<10112x128xf32, #tpu.memory_space<vmem_shared>> -> memref<10112x128xf32, #tpu.memory_space<vmem_shared>>
        tpu.enqueue_indirect_dma source(%arg14 : memref<128x128xf32, #tpu.memory_space<vmem>>) target(%dma_start3A_35 : memref<10112x128xf32, #tpu.memory_space<vmem_shared>>) offsets(%arg11 : memref<128xi32, #tpu.memory_space<vmem>>) semaphore(%run_scoped3A : memref<!tpu.dma_semaphore, #tpu.memory_space<semaphore_mem>>) {add = true}
        %dma_wait3A_36 = arith.constant 0 : i32
        %dma_wait3A_37 = arith.constant 0 : i32
        %dma_wait3A_38 = tpu.memref_slice %arg15[%dma_wait3A_36, %dma_wait3A_37] : memref<10112x128xf32, #tpu.memory_space<vmem_shared>> -> memref<10112x128xf32, #tpu.memory_space<vmem_shared>>
        tpu.wait_indirect_dma semaphore(%run_scoped3A : memref<!tpu.dma_semaphore, #tpu.memory_space<semaphore_mem>>) src(%arg14 : memref<128x128xf32, #tpu.memory_space<vmem>>) dst(%dma_wait3A_38 : memref<10112x128xf32, #tpu.memory_space<vmem_shared>>)
        tpu.yield
      }) : () -> ()
    }
    %scan3A_7 = arith.constant 80 : i32
    %barrier3A_8 = arith.constant 0 : index
    tpu.barrier barrier_id(%barrier3A_8)
    %mul3A_9 = arith.constant 632 : i32
    %mul3A_10 = arith.muli %arg1, %mul3A_9 : i32
    "tpu.region"() ({
      %run_scoped3A = tpu.sem_alloc : memref<!tpu.dma_semaphore, #tpu.memory_space<semaphore_mem>>
      %dma_start3A = arith.constant 0 : i32
      %dma_start3A_11 = arith.constant 0 : i32
      %dma_start3A_12 = tpu.memref_slice %arg9[%arg0, %dma_start3A, %dma_start3A_11] : memref<2x10112x128xf32, #tpu.memory_space<hbm>> -> memref<1x10112x128xf32, #tpu.memory_space<hbm>>
      %dma_start3A_13 = tpu.memref_squeeze %dma_start3A_12 : memref<1x10112x128xf32, #tpu.memory_space<hbm>> -> memref<10112x128xf32, #tpu.memory_space<hbm>>
      %dma_start3A_14 = arith.constant 0 : i32
      %dma_start3A_15 = tpu.memref_slice %dma_start3A_13[%mul3A_10, %dma_start3A_14] : memref<10112x128xf32, #tpu.memory_space<hbm>> -> memref<632x128xf32, #tpu.memory_space<hbm>>
      %dma_start3A_16 = arith.constant 0 : i32
      %dma_start3A_17 = tpu.memref_slice %arg15[%mul3A_10, %dma_start3A_16] : memref<10112x128xf32, #tpu.memory_space<vmem_shared>> -> memref<632x128xf32, #tpu.memory_space<vmem_shared>>
      tpu.enqueue_dma source(%dma_start3A_17 : memref<632x128xf32, #tpu.memory_space<vmem_shared>>) target(%dma_start3A_15 : memref<632x128xf32, #tpu.memory_space<hbm>>) target_semaphore(%run_scoped3A : memref<!tpu.dma_semaphore, #tpu.memory_space<semaphore_mem>>)
      %dma_wait3A = arith.constant 0 : i32
      %dma_wait3A_18 = arith.constant 0 : i32
      %dma_wait3A_19 = tpu.memref_slice %arg9[%arg0, %dma_wait3A, %dma_wait3A_18] : memref<2x10112x128xf32, #tpu.memory_space<hbm>> -> memref<1x10112x128xf32, #tpu.memory_space<hbm>>
      %dma_wait3A_20 = tpu.memref_squeeze %dma_wait3A_19 : memref<1x10112x128xf32, #tpu.memory_space<hbm>> -> memref<10112x128xf32, #tpu.memory_space<hbm>>
      %dma_wait3A_21 = arith.constant 0 : i32
      %dma_wait3A_22 = tpu.memref_slice %dma_wait3A_20[%mul3A_10, %dma_wait3A_21] : memref<10112x128xf32, #tpu.memory_space<hbm>> -> memref<632x128xf32, #tpu.memory_space<hbm>>
      %dma_wait3A_23 = arith.constant 0 : i32
      %dma_wait3A_24 = tpu.memref_slice %arg15[%mul3A_10, %dma_wait3A_23] : memref<10112x128xf32, #tpu.memory_space<vmem_shared>> -> memref<632x128xf32, #tpu.memory_space<vmem_shared>>
      tpu.wait_dma2 semaphore(%run_scoped3A : memref<!tpu.dma_semaphore, #tpu.memory_space<semaphore_mem>>) src(%dma_wait3A_24 : memref<632x128xf32, #tpu.memory_space<vmem_shared>>) dst(%dma_wait3A_22 : memref<632x128xf32, #tpu.memory_space<hbm>>)
      tpu.yield
    }) : () -> ()
    return
  }
}

#map = affine_map<(d0, d1) -> (0, 0)>
#map1 = affine_map<(d0, d1) -> (0)>
#map2 = affine_map<(d0, d1) -> (0, 0, 0)>
module attributes {stable_mosaic.version = 14 : i64} {
  func.func @_sc_agg_body(%arg0: i32, %arg1: i32, %arg2: memref<10112x128xf32, #tpu.memory_space<hbm>>, %arg3: memref<327680xi32, #tpu.memory_space<hbm>>, %arg4: memref<327680xi32, #tpu.memory_space<hbm>>, %arg5: memref<632x128xf32, #tpu.memory_space<hbm>>, %arg6: memref<2x10112x128xf32, #tpu.memory_space<hbm>>, %arg7: memref<128xi32, #tpu.memory_space<vmem>>, %arg8: memref<128xi32, #tpu.memory_space<vmem>>, %arg9: memref<128x128xf32, #tpu.memory_space<vmem>>, %arg10: memref<10112x128xf32, #tpu.memory_space<vmem_shared>>, %arg11: memref<!tpu.dma_semaphore, #tpu.memory_space<semaphore_mem>>) attributes {dimension_semantics = [#tpu.dimension_semantics<core_parallel>, #tpu.dimension_semantics<subcore_parallel>], iteration_bounds = array<i64: 2, 16>, scalar_prefetch = 0 : i64, scratch_operands = 5 : i64, tpu.core_type = #tpu.core_type<sc_vector_subcore>, window_params = [{transform_indices = #map}, {transform_indices = #map1}, {transform_indices = #map1}, {transform_indices = #map}, {transform_indices = #map2}]} {
    %mul3A = arith.constant 2 : i32
    %mul3A_0 = arith.muli %arg1, %mul3A : i32
    %add3A = arith.addi %mul3A_0, %arg0 : i32
    %mul3A_1 = arith.constant 632 : i32
    %mul3A_2 = arith.muli %arg1, %mul3A_1 : i32
    "tpu.region"() ({
      %run_scoped3A = tpu.sem_alloc : memref<!tpu.dma_semaphore, #tpu.memory_space<semaphore_mem>>
      %dma_start3A = arith.constant 0 : i32
      %dma_start3A_11 = tpu.memref_slice %arg10[%mul3A_2, %dma_start3A] : memref<10112x128xf32, #tpu.memory_space<vmem_shared>> -> memref<632x128xf32, #tpu.memory_space<vmem_shared>>
      tpu.enqueue_dma source(%arg5 : memref<632x128xf32, #tpu.memory_space<hbm>>) target(%dma_start3A_11 : memref<632x128xf32, #tpu.memory_space<vmem_shared>>) target_semaphore(%run_scoped3A : memref<!tpu.dma_semaphore, #tpu.memory_space<semaphore_mem>>)
      %dma_wait3A = arith.constant 0 : i32
      %dma_wait3A_12 = tpu.memref_slice %arg10[%mul3A_2, %dma_wait3A] : memref<10112x128xf32, #tpu.memory_space<vmem_shared>> -> memref<632x128xf32, #tpu.memory_space<vmem_shared>>
      tpu.wait_dma2 semaphore(%run_scoped3A : memref<!tpu.dma_semaphore, #tpu.memory_space<semaphore_mem>>) src(%arg5 : memref<632x128xf32, #tpu.memory_space<hbm>>) dst(%dma_wait3A_12 : memref<632x128xf32, #tpu.memory_space<vmem_shared>>)
      tpu.yield
    }) : () -> ()
    %barrier3A = arith.constant 0 : index
    tpu.barrier barrier_id(%barrier3A)
    %scan3A = arith.constant 0 : i32
    %scan3A_3 = arith.constant 0 : i32
    %scan3A_4 = arith.constant 80 : i32
    %scan3A_5 = arith.addi %scan3A_3, %scan3A_4 : i32
    %scan3A_6 = arith.constant 1 : i32
    scf.for %scan3A_11 = %scan3A_3 to %scan3A_5 step %scan3A_6  : i32 {
      %mul3A_12 = arith.constant 32 : i32
      %mul3A_13 = arith.muli %scan3A_11, %mul3A_12 : i32
      %add3A_14 = arith.addi %add3A, %mul3A_13 : i32
      %mul3A_15 = arith.constant 128 : i32
      %mul3A_16 = arith.muli %add3A_14, %mul3A_15 : i32
      "tpu.region"() ({
        %run_scoped3A = tpu.sem_alloc : memref<!tpu.dma_semaphore, #tpu.memory_space<semaphore_mem>>
        %dma_start3A_21 = tpu.memref_slice %arg3[%mul3A_16] : memref<327680xi32, #tpu.memory_space<hbm>> -> memref<128xi32, #tpu.memory_space<hbm>>
        %dma_start3A_22 = tpu.memref_slice %arg3[%mul3A_16] : memref<327680xi32, #tpu.memory_space<hbm>> -> memref<128xi32, #tpu.memory_space<hbm>>
        tpu.enqueue_dma source(%dma_start3A_22 : memref<128xi32, #tpu.memory_space<hbm>>) target(%arg7 : memref<128xi32, #tpu.memory_space<vmem>>) target_semaphore(%run_scoped3A : memref<!tpu.dma_semaphore, #tpu.memory_space<semaphore_mem>>)
        %dma_wait3A_23 = tpu.memref_slice %arg3[%mul3A_16] : memref<327680xi32, #tpu.memory_space<hbm>> -> memref<128xi32, #tpu.memory_space<hbm>>
        %dma_wait3A_24 = tpu.memref_slice %arg3[%mul3A_16] : memref<327680xi32, #tpu.memory_space<hbm>> -> memref<128xi32, #tpu.memory_space<hbm>>
        tpu.wait_dma2 semaphore(%run_scoped3A : memref<!tpu.dma_semaphore, #tpu.memory_space<semaphore_mem>>) src(%dma_wait3A_24 : memref<128xi32, #tpu.memory_space<hbm>>) dst(%arg7 : memref<128xi32, #tpu.memory_space<vmem>>)
        tpu.yield
      }) : () -> ()
      "tpu.region"() ({
        %run_scoped3A = tpu.sem_alloc : memref<!tpu.dma_semaphore, #tpu.memory_space<semaphore_mem>>
        %dma_start3A_21 = tpu.memref_slice %arg4[%mul3A_16] : memref<327680xi32, #tpu.memory_space<hbm>> -> memref<128xi32, #tpu.memory_space<hbm>>
        %dma_start3A_22 = tpu.memref_slice %arg4[%mul3A_16] : memref<327680xi32, #tpu.memory_space<hbm>> -> memref<128xi32, #tpu.memory_space<hbm>>
        tpu.enqueue_dma source(%dma_start3A_22 : memref<128xi32, #tpu.memory_space<hbm>>) target(%arg8 : memref<128xi32, #tpu.memory_space<vmem>>) target_semaphore(%run_scoped3A : memref<!tpu.dma_semaphore, #tpu.memory_space<semaphore_mem>>)
        %dma_wait3A_23 = tpu.memref_slice %arg4[%mul3A_16] : memref<327680xi32, #tpu.memory_space<hbm>> -> memref<128xi32, #tpu.memory_space<hbm>>
        %dma_wait3A_24 = tpu.memref_slice %arg4[%mul3A_16] : memref<327680xi32, #tpu.memory_space<hbm>> -> memref<128xi32, #tpu.memory_space<hbm>>
        tpu.wait_dma2 semaphore(%run_scoped3A : memref<!tpu.dma_semaphore, #tpu.memory_space<semaphore_mem>>) src(%dma_wait3A_24 : memref<128xi32, #tpu.memory_space<hbm>>) dst(%arg8 : memref<128xi32, #tpu.memory_space<vmem>>)
        tpu.yield
      }) : () -> ()
      %dma_start3A = arith.constant 0 : i32
      %dma_start3A_17 = arith.constant 0 : i32
      %dma_start3A_18 = tpu.memref_slice %arg2[%dma_start3A, %dma_start3A_17] : memref<10112x128xf32, #tpu.memory_space<hbm>> -> memref<10112x128xf32, #tpu.memory_space<hbm>>
      tpu.enqueue_indirect_dma source(%dma_start3A_18 : memref<10112x128xf32, #tpu.memory_space<hbm>>) target(%arg9 : memref<128x128xf32, #tpu.memory_space<vmem>>) offsets(%arg7 : memref<128xi32, #tpu.memory_space<vmem>>) semaphore(%arg11 : memref<!tpu.dma_semaphore, #tpu.memory_space<semaphore_mem>>)
      %dma_wait3A = arith.constant 0 : i32
      %dma_wait3A_19 = arith.constant 0 : i32
      %dma_wait3A_20 = tpu.memref_slice %arg2[%dma_wait3A, %dma_wait3A_19] : memref<10112x128xf32, #tpu.memory_space<hbm>> -> memref<10112x128xf32, #tpu.memory_space<hbm>>
      tpu.wait_indirect_dma semaphore(%arg11 : memref<!tpu.dma_semaphore, #tpu.memory_space<semaphore_mem>>) src(%dma_wait3A_20 : memref<10112x128xf32, #tpu.memory_space<hbm>>) dst(%arg9 : memref<128x128xf32, #tpu.memory_space<vmem>>)
      "tpu.region"() ({
        %run_scoped3A = tpu.sem_alloc : memref<!tpu.dma_semaphore, #tpu.memory_space<semaphore_mem>>
        %dma_start3A_21 = arith.constant 0 : i32
        %dma_start3A_22 = arith.constant 0 : i32
        %dma_start3A_23 = tpu.memref_slice %arg10[%dma_start3A_21, %dma_start3A_22] : memref<10112x128xf32, #tpu.memory_space<vmem_shared>> -> memref<10112x128xf32, #tpu.memory_space<vmem_shared>>
        tpu.enqueue_indirect_dma source(%arg9 : memref<128x128xf32, #tpu.memory_space<vmem>>) target(%dma_start3A_23 : memref<10112x128xf32, #tpu.memory_space<vmem_shared>>) offsets(%arg8 : memref<128xi32, #tpu.memory_space<vmem>>) semaphore(%run_scoped3A : memref<!tpu.dma_semaphore, #tpu.memory_space<semaphore_mem>>) {add = true}
        %dma_wait3A_24 = arith.constant 0 : i32
        %dma_wait3A_25 = arith.constant 0 : i32
        %dma_wait3A_26 = tpu.memref_slice %arg10[%dma_wait3A_24, %dma_wait3A_25] : memref<10112x128xf32, #tpu.memory_space<vmem_shared>> -> memref<10112x128xf32, #tpu.memory_space<vmem_shared>>
        tpu.wait_indirect_dma semaphore(%run_scoped3A : memref<!tpu.dma_semaphore, #tpu.memory_space<semaphore_mem>>) src(%arg9 : memref<128x128xf32, #tpu.memory_space<vmem>>) dst(%dma_wait3A_26 : memref<10112x128xf32, #tpu.memory_space<vmem_shared>>)
        tpu.yield
      }) : () -> ()
    }
    %scan3A_7 = arith.constant 80 : i32
    %barrier3A_8 = arith.constant 0 : index
    tpu.barrier barrier_id(%barrier3A_8)
    %mul3A_9 = arith.constant 632 : i32
    %mul3A_10 = arith.muli %arg1, %mul3A_9 : i32
    "tpu.region"() ({
      %run_scoped3A = tpu.sem_alloc : memref<!tpu.dma_semaphore, #tpu.memory_space<semaphore_mem>>
      %dma_start3A = arith.constant 0 : i32
      %dma_start3A_11 = arith.constant 0 : i32
      %dma_start3A_12 = tpu.memref_slice %arg6[%arg0, %dma_start3A, %dma_start3A_11] : memref<2x10112x128xf32, #tpu.memory_space<hbm>> -> memref<1x10112x128xf32, #tpu.memory_space<hbm>>
      %dma_start3A_13 = tpu.memref_squeeze %dma_start3A_12 : memref<1x10112x128xf32, #tpu.memory_space<hbm>> -> memref<10112x128xf32, #tpu.memory_space<hbm>>
      %dma_start3A_14 = arith.constant 0 : i32
      %dma_start3A_15 = tpu.memref_slice %dma_start3A_13[%mul3A_10, %dma_start3A_14] : memref<10112x128xf32, #tpu.memory_space<hbm>> -> memref<632x128xf32, #tpu.memory_space<hbm>>
      %dma_start3A_16 = arith.constant 0 : i32
      %dma_start3A_17 = tpu.memref_slice %arg10[%mul3A_10, %dma_start3A_16] : memref<10112x128xf32, #tpu.memory_space<vmem_shared>> -> memref<632x128xf32, #tpu.memory_space<vmem_shared>>
      tpu.enqueue_dma source(%dma_start3A_17 : memref<632x128xf32, #tpu.memory_space<vmem_shared>>) target(%dma_start3A_15 : memref<632x128xf32, #tpu.memory_space<hbm>>) target_semaphore(%run_scoped3A : memref<!tpu.dma_semaphore, #tpu.memory_space<semaphore_mem>>)
      %dma_wait3A = arith.constant 0 : i32
      %dma_wait3A_18 = arith.constant 0 : i32
      %dma_wait3A_19 = tpu.memref_slice %arg6[%arg0, %dma_wait3A, %dma_wait3A_18] : memref<2x10112x128xf32, #tpu.memory_space<hbm>> -> memref<1x10112x128xf32, #tpu.memory_space<hbm>>
      %dma_wait3A_20 = tpu.memref_squeeze %dma_wait3A_19 : memref<1x10112x128xf32, #tpu.memory_space<hbm>> -> memref<10112x128xf32, #tpu.memory_space<hbm>>
      %dma_wait3A_21 = arith.constant 0 : i32
      %dma_wait3A_22 = tpu.memref_slice %dma_wait3A_20[%mul3A_10, %dma_wait3A_21] : memref<10112x128xf32, #tpu.memory_space<hbm>> -> memref<632x128xf32, #tpu.memory_space<hbm>>
      %dma_wait3A_23 = arith.constant 0 : i32
      %dma_wait3A_24 = tpu.memref_slice %arg10[%mul3A_10, %dma_wait3A_23] : memref<10112x128xf32, #tpu.memory_space<vmem_shared>> -> memref<632x128xf32, #tpu.memory_space<vmem_shared>>
      tpu.wait_dma2 semaphore(%run_scoped3A : memref<!tpu.dma_semaphore, #tpu.memory_space<semaphore_mem>>) src(%dma_wait3A_24 : memref<632x128xf32, #tpu.memory_space<vmem_shared>>) dst(%dma_wait3A_22 : memref<632x128xf32, #tpu.memory_space<hbm>>)
      tpu.yield
    }) : () -> ()
    return
  }
}

#map = affine_map<(d0, d1) -> (0, 0)>
#map1 = affine_map<(d0, d1) -> (0)>
#map2 = affine_map<(d0, d1) -> (0, 0, 0)>
module attributes {stable_mosaic.version = 14 : i64} {
  func.func @_sc_agg_body(%arg0: i32, %arg1: i32, %arg2: memref<10112x128xf32, #tpu.memory_space<hbm>>, %arg3: memref<327680xi32, #tpu.memory_space<hbm>>, %arg4: memref<327680xi32, #tpu.memory_space<hbm>>, %arg5: memref<632x128xf32, #tpu.memory_space<hbm>>, %arg6: memref<2x10112x128xf32, #tpu.memory_space<hbm>>, %arg7: memref<128xi32, #tpu.memory_space<vmem>>, %arg8: memref<128xi32, #tpu.memory_space<vmem>>, %arg9: memref<128x128xf32, #tpu.memory_space<vmem>>, %arg10: memref<10112x128xf32, #tpu.memory_space<vmem_shared>>, %arg11: memref<!tpu.dma_semaphore, #tpu.memory_space<semaphore_mem>>) attributes {dimension_semantics = [#tpu.dimension_semantics<core_parallel>, #tpu.dimension_semantics<subcore_parallel>], iteration_bounds = array<i64: 2, 16>, scalar_prefetch = 0 : i64, scratch_operands = 5 : i64, tpu.core_type = #tpu.core_type<sc_vector_subcore>, window_params = [{transform_indices = #map}, {transform_indices = #map1}, {transform_indices = #map1}, {transform_indices = #map}, {transform_indices = #map2}]} {
    %mul3A = arith.constant 2 : i32
    %mul3A_0 = arith.muli %arg1, %mul3A : i32
    %add3A = arith.addi %mul3A_0, %arg0 : i32
    %mul3A_1 = arith.constant 632 : i32
    %mul3A_2 = arith.muli %arg1, %mul3A_1 : i32
    "tpu.region"() ({
      %run_scoped3A = tpu.sem_alloc : memref<!tpu.dma_semaphore, #tpu.memory_space<semaphore_mem>>
      %dma_start3A = arith.constant 0 : i32
      %dma_start3A_11 = tpu.memref_slice %arg10[%mul3A_2, %dma_start3A] : memref<10112x128xf32, #tpu.memory_space<vmem_shared>> -> memref<632x128xf32, #tpu.memory_space<vmem_shared>>
      tpu.enqueue_dma source(%arg5 : memref<632x128xf32, #tpu.memory_space<hbm>>) target(%dma_start3A_11 : memref<632x128xf32, #tpu.memory_space<vmem_shared>>) target_semaphore(%run_scoped3A : memref<!tpu.dma_semaphore, #tpu.memory_space<semaphore_mem>>)
      %dma_wait3A = arith.constant 0 : i32
      %dma_wait3A_12 = tpu.memref_slice %arg10[%mul3A_2, %dma_wait3A] : memref<10112x128xf32, #tpu.memory_space<vmem_shared>> -> memref<632x128xf32, #tpu.memory_space<vmem_shared>>
      tpu.wait_dma2 semaphore(%run_scoped3A : memref<!tpu.dma_semaphore, #tpu.memory_space<semaphore_mem>>) src(%arg5 : memref<632x128xf32, #tpu.memory_space<hbm>>) dst(%dma_wait3A_12 : memref<632x128xf32, #tpu.memory_space<vmem_shared>>)
      tpu.yield
    }) : () -> ()
    %barrier3A = arith.constant 0 : index
    tpu.barrier barrier_id(%barrier3A)
    %scan3A = arith.constant 0 : i32
    %scan3A_3 = arith.constant 0 : i32
    %scan3A_4 = arith.constant 80 : i32
    %scan3A_5 = arith.addi %scan3A_3, %scan3A_4 : i32
    %scan3A_6 = arith.constant 1 : i32
    scf.for %scan3A_11 = %scan3A_3 to %scan3A_5 step %scan3A_6  : i32 {
      %mul3A_12 = arith.constant 32 : i32
      %mul3A_13 = arith.muli %scan3A_11, %mul3A_12 : i32
      %add3A_14 = arith.addi %add3A, %mul3A_13 : i32
      %mul3A_15 = arith.constant 128 : i32
      %mul3A_16 = arith.muli %add3A_14, %mul3A_15 : i32
      "tpu.region"() ({
        %run_scoped3A = tpu.sem_alloc : memref<!tpu.dma_semaphore, #tpu.memory_space<semaphore_mem>>
        %dma_start3A_21 = tpu.memref_slice %arg3[%mul3A_16] : memref<327680xi32, #tpu.memory_space<hbm>> -> memref<128xi32, #tpu.memory_space<hbm>>
        %dma_start3A_22 = tpu.memref_slice %arg3[%mul3A_16] : memref<327680xi32, #tpu.memory_space<hbm>> -> memref<128xi32, #tpu.memory_space<hbm>>
        tpu.enqueue_dma source(%dma_start3A_22 : memref<128xi32, #tpu.memory_space<hbm>>) target(%arg7 : memref<128xi32, #tpu.memory_space<vmem>>) target_semaphore(%run_scoped3A : memref<!tpu.dma_semaphore, #tpu.memory_space<semaphore_mem>>)
        %dma_wait3A_23 = tpu.memref_slice %arg3[%mul3A_16] : memref<327680xi32, #tpu.memory_space<hbm>> -> memref<128xi32, #tpu.memory_space<hbm>>
        %dma_wait3A_24 = tpu.memref_slice %arg3[%mul3A_16] : memref<327680xi32, #tpu.memory_space<hbm>> -> memref<128xi32, #tpu.memory_space<hbm>>
        tpu.wait_dma2 semaphore(%run_scoped3A : memref<!tpu.dma_semaphore, #tpu.memory_space<semaphore_mem>>) src(%dma_wait3A_24 : memref<128xi32, #tpu.memory_space<hbm>>) dst(%arg7 : memref<128xi32, #tpu.memory_space<vmem>>)
        tpu.yield
      }) : () -> ()
      "tpu.region"() ({
        %run_scoped3A = tpu.sem_alloc : memref<!tpu.dma_semaphore, #tpu.memory_space<semaphore_mem>>
        %dma_start3A_21 = tpu.memref_slice %arg4[%mul3A_16] : memref<327680xi32, #tpu.memory_space<hbm>> -> memref<128xi32, #tpu.memory_space<hbm>>
        %dma_start3A_22 = tpu.memref_slice %arg4[%mul3A_16] : memref<327680xi32, #tpu.memory_space<hbm>> -> memref<128xi32, #tpu.memory_space<hbm>>
        tpu.enqueue_dma source(%dma_start3A_22 : memref<128xi32, #tpu.memory_space<hbm>>) target(%arg8 : memref<128xi32, #tpu.memory_space<vmem>>) target_semaphore(%run_scoped3A : memref<!tpu.dma_semaphore, #tpu.memory_space<semaphore_mem>>)
        %dma_wait3A_23 = tpu.memref_slice %arg4[%mul3A_16] : memref<327680xi32, #tpu.memory_space<hbm>> -> memref<128xi32, #tpu.memory_space<hbm>>
        %dma_wait3A_24 = tpu.memref_slice %arg4[%mul3A_16] : memref<327680xi32, #tpu.memory_space<hbm>> -> memref<128xi32, #tpu.memory_space<hbm>>
        tpu.wait_dma2 semaphore(%run_scoped3A : memref<!tpu.dma_semaphore, #tpu.memory_space<semaphore_mem>>) src(%dma_wait3A_24 : memref<128xi32, #tpu.memory_space<hbm>>) dst(%arg8 : memref<128xi32, #tpu.memory_space<vmem>>)
        tpu.yield
      }) : () -> ()
      %dma_start3A = arith.constant 0 : i32
      %dma_start3A_17 = arith.constant 0 : i32
      %dma_start3A_18 = tpu.memref_slice %arg2[%dma_start3A, %dma_start3A_17] : memref<10112x128xf32, #tpu.memory_space<hbm>> -> memref<10112x128xf32, #tpu.memory_space<hbm>>
      tpu.enqueue_indirect_dma source(%dma_start3A_18 : memref<10112x128xf32, #tpu.memory_space<hbm>>) target(%arg9 : memref<128x128xf32, #tpu.memory_space<vmem>>) offsets(%arg7 : memref<128xi32, #tpu.memory_space<vmem>>) semaphore(%arg11 : memref<!tpu.dma_semaphore, #tpu.memory_space<semaphore_mem>>)
      %dma_wait3A = arith.constant 0 : i32
      %dma_wait3A_19 = arith.constant 0 : i32
      %dma_wait3A_20 = tpu.memref_slice %arg2[%dma_wait3A, %dma_wait3A_19] : memref<10112x128xf32, #tpu.memory_space<hbm>> -> memref<10112x128xf32, #tpu.memory_space<hbm>>
      tpu.wait_indirect_dma semaphore(%arg11 : memref<!tpu.dma_semaphore, #tpu.memory_space<semaphore_mem>>) src(%dma_wait3A_20 : memref<10112x128xf32, #tpu.memory_space<hbm>>) dst(%arg9 : memref<128x128xf32, #tpu.memory_space<vmem>>)
      "tpu.region"() ({
        %run_scoped3A = tpu.sem_alloc : memref<!tpu.dma_semaphore, #tpu.memory_space<semaphore_mem>>
        %dma_start3A_21 = arith.constant 0 : i32
        %dma_start3A_22 = arith.constant 0 : i32
        %dma_start3A_23 = tpu.memref_slice %arg10[%dma_start3A_21, %dma_start3A_22] : memref<10112x128xf32, #tpu.memory_space<vmem_shared>> -> memref<10112x128xf32, #tpu.memory_space<vmem_shared>>
        tpu.enqueue_indirect_dma source(%arg9 : memref<128x128xf32, #tpu.memory_space<vmem>>) target(%dma_start3A_23 : memref<10112x128xf32, #tpu.memory_space<vmem_shared>>) offsets(%arg8 : memref<128xi32, #tpu.memory_space<vmem>>) semaphore(%run_scoped3A : memref<!tpu.dma_semaphore, #tpu.memory_space<semaphore_mem>>) {add = true}
        %dma_wait3A_24 = arith.constant 0 : i32
        %dma_wait3A_25 = arith.constant 0 : i32
        %dma_wait3A_26 = tpu.memref_slice %arg10[%dma_wait3A_24, %dma_wait3A_25] : memref<10112x128xf32, #tpu.memory_space<vmem_shared>> -> memref<10112x128xf32, #tpu.memory_space<vmem_shared>>
        tpu.wait_indirect_dma semaphore(%run_scoped3A : memref<!tpu.dma_semaphore, #tpu.memory_space<semaphore_mem>>) src(%arg9 : memref<128x128xf32, #tpu.memory_space<vmem>>) dst(%dma_wait3A_26 : memref<10112x128xf32, #tpu.memory_space<vmem_shared>>)
        tpu.yield
      }) : () -> ()
    }
    %scan3A_7 = arith.constant 80 : i32
    %barrier3A_8 = arith.constant 0 : index
    tpu.barrier barrier_id(%barrier3A_8)
    %mul3A_9 = arith.constant 632 : i32
    %mul3A_10 = arith.muli %arg1, %mul3A_9 : i32
    "tpu.region"() ({
      %run_scoped3A = tpu.sem_alloc : memref<!tpu.dma_semaphore, #tpu.memory_space<semaphore_mem>>
      %dma_start3A = arith.constant 0 : i32
      %dma_start3A_11 = arith.constant 0 : i32
      %dma_start3A_12 = tpu.memref_slice %arg6[%arg0, %dma_start3A, %dma_start3A_11] : memref<2x10112x128xf32, #tpu.memory_space<hbm>> -> memref<1x10112x128xf32, #tpu.memory_space<hbm>>
      %dma_start3A_13 = tpu.memref_squeeze %dma_start3A_12 : memref<1x10112x128xf32, #tpu.memory_space<hbm>> -> memref<10112x128xf32, #tpu.memory_space<hbm>>
      %dma_start3A_14 = arith.constant 0 : i32
      %dma_start3A_15 = tpu.memref_slice %dma_start3A_13[%mul3A_10, %dma_start3A_14] : memref<10112x128xf32, #tpu.memory_space<hbm>> -> memref<632x128xf32, #tpu.memory_space<hbm>>
      %dma_start3A_16 = arith.constant 0 : i32
      %dma_start3A_17 = tpu.memref_slice %arg10[%mul3A_10, %dma_start3A_16] : memref<10112x128xf32, #tpu.memory_space<vmem_shared>> -> memref<632x128xf32, #tpu.memory_space<vmem_shared>>
      tpu.enqueue_dma source(%dma_start3A_17 : memref<632x128xf32, #tpu.memory_space<vmem_shared>>) target(%dma_start3A_15 : memref<632x128xf32, #tpu.memory_space<hbm>>) target_semaphore(%run_scoped3A : memref<!tpu.dma_semaphore, #tpu.memory_space<semaphore_mem>>)
      %dma_wait3A = arith.constant 0 : i32
      %dma_wait3A_18 = arith.constant 0 : i32
      %dma_wait3A_19 = tpu.memref_slice %arg6[%arg0, %dma_wait3A, %dma_wait3A_18] : memref<2x10112x128xf32, #tpu.memory_space<hbm>> -> memref<1x10112x128xf32, #tpu.memory_space<hbm>>
      %dma_wait3A_20 = tpu.memref_squeeze %dma_wait3A_19 : memref<1x10112x128xf32, #tpu.memory_space<hbm>> -> memref<10112x128xf32, #tpu.memory_space<hbm>>
      %dma_wait3A_21 = arith.constant 0 : i32
      %dma_wait3A_22 = tpu.memref_slice %dma_wait3A_20[%mul3A_10, %dma_wait3A_21] : memref<10112x128xf32, #tpu.memory_space<hbm>> -> memref<632x128xf32, #tpu.memory_space<hbm>>
      %dma_wait3A_23 = arith.constant 0 : i32
      %dma_wait3A_24 = tpu.memref_slice %arg10[%mul3A_10, %dma_wait3A_23] : memref<10112x128xf32, #tpu.memory_space<vmem_shared>> -> memref<632x128xf32, #tpu.memory_space<vmem_shared>>
      tpu.wait_dma2 semaphore(%run_scoped3A : memref<!tpu.dma_semaphore, #tpu.memory_space<semaphore_mem>>) src(%dma_wait3A_24 : memref<632x128xf32, #tpu.memory_space<vmem_shared>>) dst(%dma_wait3A_22 : memref<632x128xf32, #tpu.memory_space<hbm>>)
      tpu.yield
    }) : () -> ()
    return
  }
}

module attributes {stable_mosaic.version = 14 : i64} {
  func.func @_k_ab(%arg0: i32, %arg1: memref<1000x128xf32, #tpu.memory_space<vmem>>, %arg2: memref<128x128xf32, #tpu.memory_space<vmem>>, %arg3: memref<128x128xf32, #tpu.memory_space<vmem>>, %arg4: memref<1000x128xf32, #tpu.memory_space<vmem>>, %arg5: memref<1000x128xf32, #tpu.memory_space<vmem>>) attributes {dimension_semantics = [#tpu.dimension_semantics<arbitrary>], iteration_bounds = array<i64: 10>, scalar_prefetch = 0 : i64, scratch_operands = 0 : i64, tpu.core_type = #tpu.core_type<tc>, window_params = [{transform_indices = @transform_0, window_bounds = array<i64: 1000, 128>}, {pipeline_mode = #tpu.pipeline_mode<synchronous>, transform_indices = @transform_1, window_bounds = array<i64: 128, 128>}, {pipeline_mode = #tpu.pipeline_mode<synchronous>, transform_indices = @transform_2, window_bounds = array<i64: 128, 128>}, {transform_indices = @transform_3, window_bounds = array<i64: 1000, 128>}, {transform_indices = @transform_4, window_bounds = array<i64: 1000, 128>}]} {
    %get3A = arith.constant 0 : index
    %get3A_0 = arith.constant 0 : index
    %get3A_1 = vector.load %arg1[%get3A, %get3A_0] : memref<1000x128xf32, #tpu.memory_space<vmem>>, vector<1000x128xf32>
    %get3A_2 = arith.constant 0 : index
    %get3A_3 = arith.constant 0 : index
    %get3A_4 = vector.load %arg2[%get3A_2, %get3A_3] : memref<128x128xf32, #tpu.memory_space<vmem>>, vector<128x128xf32>
    %dot_general3A = arith.constant dense<0.000000e+00> : vector<1000x128xf32>
    %dot_general3A_5 = tpu.matmul %get3A_1, %get3A_4, %dot_general3A {dimension_numbers = #tpu.dot_dimension_numbers<[1], [0], [0], [1], [0, 0, 1, 1], [], []>, transpose_lhs_hint = false} : vector<1000x128xf32>, vector<128x128xf32>, vector<1000x128xf32> -> vector<1000x128xf32>
    %swap3A = arith.constant 0 : index
    %swap3A_6 = arith.constant 0 : index
    %swap3A_7 = vector.load %arg4[%swap3A, %swap3A_6] : memref<1000x128xf32, #tpu.memory_space<vmem>>, vector<1000x128xf32>
    tpu.vector_store %arg4[%swap3A, %swap3A_6], %dot_general3A_5 {strides = array<i32>} : memref<1000x128xf32, #tpu.memory_space<vmem>>, vector<1000x128xf32>,
    %get3A_8 = arith.constant 0 : index
    %get3A_9 = arith.constant 0 : index
    %get3A_10 = vector.load %arg3[%get3A_8, %get3A_9] : memref<128x128xf32, #tpu.memory_space<vmem>>, vector<128x128xf32>
    %dot_general3A_11 = arith.constant dense<0.000000e+00> : vector<1000x128xf32>
    %dot_general3A_12 = tpu.matmul %get3A_1, %get3A_10, %dot_general3A_11 {dimension_numbers = #tpu.dot_dimension_numbers<[1], [0], [0], [1], [0, 0, 1, 1], [], []>, transpose_lhs_hint = false} : vector<1000x128xf32>, vector<128x128xf32>, vector<1000x128xf32> -> vector<1000x128xf32>
    %swap3A_13 = arith.constant 0 : index
    %swap3A_14 = arith.constant 0 : index
    %swap3A_15 = vector.load %arg5[%swap3A_13, %swap3A_14] : memref<1000x128xf32, #tpu.memory_space<vmem>>, vector<1000x128xf32>
    tpu.vector_store %arg5[%swap3A_13, %swap3A_14], %dot_general3A_12 {strides = array<i32>} : memref<1000x128xf32, #tpu.memory_space<vmem>>, vector<1000x128xf32>,
    return
  }
  func.func @transform_0(%arg0: i32) -> (i32, i32) {
    %c0_i32 = arith.constant 0 : i32
    %c0_i32_0 = arith.constant 0 : i32
    return %arg0, %c0_i32 : i32, i32
  }
  func.func @transform_1(%arg0: i32) -> (i32, i32) {
    %c0_i32 = arith.constant 0 : i32
    %c0_i32_0 = arith.constant 0 : i32
    %c0_i32_1 = arith.constant 0 : i32
    return %c0_i32, %c0_i32_0 : i32, i32
  }
  func.func @transform_2(%arg0: i32) -> (i32, i32) {
    %c0_i32 = arith.constant 0 : i32
    %c0_i32_0 = arith.constant 0 : i32
    %c0_i32_1 = arith.constant 0 : i32
    return %c0_i32, %c0_i32_0 : i32, i32
  }
  func.func @transform_3(%arg0: i32) -> (i32, i32) {
    %c0_i32 = arith.constant 0 : i32
    %c0_i32_0 = arith.constant 0 : i32
    return %arg0, %c0_i32 : i32, i32
  }
  func.func @transform_4(%arg0: i32) -> (i32, i32) {
    %c0_i32 = arith.constant 0 : i32
    %c0_i32_0 = arith.constant 0 : i32
    return %arg0, %c0_i32 : i32, i32
  }
}

module attributes {stable_mosaic.version = 14 : i64} {
  func.func @_k_prep(%arg0: i32, %arg1: memref<2x1000x128xf32, #tpu.memory_space<vmem>>, %arg2: memref<1000x128xf32, #tpu.memory_space<vmem>>, %arg3: memref<1000x128xf32, #tpu.memory_space<vmem>>, %arg4: memref<1000x128xf32, #tpu.memory_space<vmem>>) attributes {dimension_semantics = [#tpu.dimension_semantics<arbitrary>], iteration_bounds = array<i64: 10>, scalar_prefetch = 0 : i64, scratch_operands = 0 : i64, tpu.core_type = #tpu.core_type<tc>, window_params = [{transform_indices = @transform_0, window_bounds = array<i64: 2, 1000, 128>}, {transform_indices = @transform_1, window_bounds = array<i64: 1000, 128>}, {transform_indices = @transform_2, window_bounds = array<i64: 1000, 128>}, {transform_indices = @transform_3, window_bounds = array<i64: 1000, 128>}]} {
    %get3A = arith.constant 0 : index
    %get3A_0 = arith.constant 0 : index
    %get3A_1 = arith.constant 0 : index
    %get3A_2 = vector.load %arg1[%get3A, %get3A_0, %get3A_1] : memref<2x1000x128xf32, #tpu.memory_space<vmem>>, vector<1x1000x128xf32>
    %get3A_3 = vector.shape_cast %get3A_2 : vector<1x1000x128xf32> to vector<1000x128xf32>
    %get3A_4 = arith.constant 1 : index
    %get3A_5 = arith.constant 0 : index
    %get3A_6 = arith.constant 0 : index
    %get3A_7 = vector.load %arg1[%get3A_4, %get3A_5, %get3A_6] : memref<2x1000x128xf32, #tpu.memory_space<vmem>>, vector<1x1000x128xf32>
    %get3A_8 = vector.shape_cast %get3A_7 : vector<1x1000x128xf32> to vector<1000x128xf32>
    %add3A = arith.addf %get3A_3, %get3A_8 : vector<1000x128xf32>
    %add3A_9 = arith.constant 1.000000e+00 : f32
    %add3A_10 = vector.broadcast %add3A_9 : f32 to vector<1000x128xf32>
    %add3A_11 = arith.addf %add3A, %add3A_10 : vector<1000x128xf32>
    %rsqrt3A = math.rsqrt %add3A_11 : vector<1000x128xf32>
    %swap3A = arith.constant 0 : index
    %swap3A_12 = arith.constant 0 : index
    %swap3A_13 = vector.load %arg3[%swap3A, %swap3A_12] : memref<1000x128xf32, #tpu.memory_space<vmem>>, vector<1000x128xf32>
    tpu.vector_store %arg3[%swap3A, %swap3A_12], %rsqrt3A {strides = array<i32>} : memref<1000x128xf32, #tpu.memory_space<vmem>>, vector<1000x128xf32>,
    %get3A_14 = arith.constant 0 : index
    %get3A_15 = arith.constant 0 : index
    %get3A_16 = vector.load %arg2[%get3A_14, %get3A_15] : memref<1000x128xf32, #tpu.memory_space<vmem>>, vector<1000x128xf32>
    %mul3A = arith.mulf %get3A_16, %rsqrt3A : vector<1000x128xf32>
    %swap3A_17 = arith.constant 0 : index
    %swap3A_18 = arith.constant 0 : index
    %swap3A_19 = vector.load %arg4[%swap3A_17, %swap3A_18] : memref<1000x128xf32, #tpu.memory_space<vmem>>, vector<1000x128xf32>
    tpu.vector_store %arg4[%swap3A_17, %swap3A_18], %mul3A {strides = array<i32>} : memref<1000x128xf32, #tpu.memory_space<vmem>>, vector<1000x128xf32>,
    return
  }
  func.func @transform_0(%arg0: i32) -> (i32, i32, i32) {
    %c0_i32 = arith.constant 0 : i32
    %c0_i32_0 = arith.constant 0 : i32
    %c0_i32_1 = arith.constant 0 : i32
    return %c0_i32, %arg0, %c0_i32_0 : i32, i32, i32
  }
  func.func @transform_1(%arg0: i32) -> (i32, i32) {
    %c0_i32 = arith.constant 0 : i32
    %c0_i32_0 = arith.constant 0 : i32
    return %arg0, %c0_i32 : i32, i32
  }
  func.func @transform_2(%arg0: i32) -> (i32, i32) {
    %c0_i32 = arith.constant 0 : i32
    %c0_i32_0 = arith.constant 0 : i32
    return %arg0, %c0_i32 : i32, i32
  }
  func.func @transform_3(%arg0: i32) -> (i32, i32) {
    %c0_i32 = arith.constant 0 : i32
    %c0_i32_0 = arith.constant 0 : i32
    return %arg0, %c0_i32 : i32, i32
  }
}

module attributes {stable_mosaic.version = 14 : i64} {
  func.func @_k_low1(%arg0: i32, %arg1: memref<1000x128xf32, #tpu.memory_space<vmem>>, %arg2: memref<2x1000x128xf32, #tpu.memory_space<vmem>>, %arg3: memref<1000x128xf32, #tpu.memory_space<vmem>>, %arg4: memref<1000x128xf32, #tpu.memory_space<vmem>>, %arg5: memref<2x128xf32, #tpu.memory_space<vmem>>, %arg6: memref<2x128xf32, #tpu.memory_space<vmem>>) attributes {dimension_semantics = [#tpu.dimension_semantics<arbitrary>], iteration_bounds = array<i64: 10>, scalar_prefetch = 0 : i64, scratch_operands = 1 : i64, tpu.core_type = #tpu.core_type<tc>, window_params = [{transform_indices = @transform_0, window_bounds = array<i64: 1000, 128>}, {transform_indices = @transform_1, window_bounds = array<i64: 2, 1000, 128>}, {transform_indices = @transform_2, window_bounds = array<i64: 1000, 128>}, {transform_indices = @transform_3, window_bounds = array<i64: 1000, 128>}, {pipeline_mode = #tpu.pipeline_mode<synchronous>, transform_indices = @transform_4, window_bounds = array<i64: 2, 128>}]} {
    %get3A = arith.constant 0 : index
    %get3A_0 = arith.constant 0 : index
    %get3A_1 = vector.load %arg3[%get3A, %get3A_0] : memref<1000x128xf32, #tpu.memory_space<vmem>>, vector<1000x128xf32>
    %get3A_2 = arith.constant 0 : index
    %get3A_3 = arith.constant 0 : index
    %get3A_4 = vector.load %arg1[%get3A_2, %get3A_3] : memref<1000x128xf32, #tpu.memory_space<vmem>>, vector<1000x128xf32>
    %get3A_5 = arith.constant 0 : index
    %get3A_6 = arith.constant 0 : index
    %get3A_7 = arith.constant 0 : index
    %get3A_8 = vector.load %arg2[%get3A_5, %get3A_6, %get3A_7] : memref<2x1000x128xf32, #tpu.memory_space<vmem>>, vector<1x1000x128xf32>
    %get3A_9 = vector.shape_cast %get3A_8 : vector<1x1000x128xf32> to vector<1000x128xf32>
    %add3A = arith.addf %get3A_4, %get3A_9 : vector<1000x128xf32>
    %get3A_10 = arith.constant 1 : index
    %get3A_11 = arith.constant 0 : index
    %get3A_12 = arith.constant 0 : index
    %get3A_13 = vector.load %arg2[%get3A_10, %get3A_11, %get3A_12] : memref<2x1000x128xf32, #tpu.memory_space<vmem>>, vector<1x1000x128xf32>
    %get3A_14 = vector.shape_cast %get3A_13 : vector<1x1000x128xf32> to vector<1000x128xf32>
    %add3A_15 = arith.addf %add3A, %get3A_14 : vector<1000x128xf32>
    %mul3A = arith.mulf %get3A_1, %add3A_15 : vector<1000x128xf32>
    %swap3A = arith.constant 0 : index
    %swap3A_16 = arith.constant 0 : index
    %swap3A_17 = vector.load %arg4[%swap3A, %swap3A_16] : memref<1000x128xf32, #tpu.memory_space<vmem>>, vector<1000x128xf32>
    tpu.vector_store %arg4[%swap3A, %swap3A_16], %mul3A {strides = array<i32>} : memref<1000x128xf32, #tpu.memory_space<vmem>>, vector<1000x128xf32>,
    %reduce_sum3A = arith.constant dense<0.000000e+00> : vector<128xf32>
    %reduce_sum3A_18 = vector.multi_reduction <add>, %mul3A, %reduce_sum3A [0] : vector<1000x128xf32> to vector<128xf32>
    %broadcast_in_dim3A = vector.shape_cast %reduce_sum3A_18 : vector<128xf32> to vector<1x128xf32>
    %mul3A_19 = arith.mulf %mul3A, %mul3A : vector<1000x128xf32>
    %reduce_sum3A_20 = arith.constant dense<0.000000e+00> : vector<128xf32>
    %reduce_sum3A_21 = vector.multi_reduction <add>, %mul3A_19, %reduce_sum3A_20 [0] : vector<1000x128xf32> to vector<128xf32>
    %broadcast_in_dim3A_22 = vector.shape_cast %reduce_sum3A_21 : vector<128xf32> to vector<1x128xf32>
    %eq3A = arith.constant 0 : i32
    %eq3A_23 = arith.cmpi eq, %arg0, %eq3A : i32
    %convert_element_type3A = arith.extui %eq3A_23 : i1 to i32
    %cond3A = arith.constant 0 : i32
    %cond3A_24 = arith.cmpi ne, %convert_element_type3A, %cond3A : i32
    scf.if %cond3A_24 {
      %swap3A_34 = arith.constant 0 : index
      %swap3A_35 = arith.constant 0 : index
      %swap3A_36 = vector.load %arg6[%swap3A_34, %swap3A_35] : memref<2x128xf32, #tpu.memory_space<vmem>>, vector<1x128xf32>
      tpu.vector_store %arg6[%swap3A_34, %swap3A_35], %broadcast_in_dim3A {strides = array<i32>} : memref<2x128xf32, #tpu.memory_space<vmem>>, vector<1x128xf32>,
      %swap3A_37 = arith.constant 1 : index
      %swap3A_38 = arith.constant 0 : index
      %swap3A_39 = vector.load %arg6[%swap3A_37, %swap3A_38] : memref<2x128xf32, #tpu.memory_space<vmem>>, vector<1x128xf32>
      tpu.vector_store %arg6[%swap3A_37, %swap3A_38], %broadcast_in_dim3A_22 {strides = array<i32>} : memref<2x128xf32, #tpu.memory_space<vmem>>, vector<1x128xf32>,
    } else {
    }
    %gt3A = arith.constant 0 : i32
    %gt3A_25 = arith.cmpi sgt, %arg0, %gt3A : i32
    %convert_element_type3A_26 = arith.extui %gt3A_25 : i1 to i32
    %cond3A_27 = arith.constant 0 : i32
    %cond3A_28 = arith.cmpi ne, %convert_element_type3A_26, %cond3A_27 : i32
    scf.if %cond3A_28 {
      %get3A_34 = arith.constant 0 : index
      %get3A_35 = arith.constant 0 : index
      %get3A_36 = vector.load %arg6[%get3A_34, %get3A_35] : memref<2x128xf32, #tpu.memory_space<vmem>>, vector<1x128xf32>
      %add3A_37 = arith.addf %get3A_36, %broadcast_in_dim3A : vector<1x128xf32>
      %swap3A_38 = arith.constant 0 : index
      %swap3A_39 = arith.constant 0 : index
      %swap3A_40 = vector.load %arg6[%swap3A_38, %swap3A_39] : memref<2x128xf32, #tpu.memory_space<vmem>>, vector<1x128xf32>
      tpu.vector_store %arg6[%swap3A_38, %swap3A_39], %add3A_37 {strides = array<i32>} : memref<2x128xf32, #tpu.memory_space<vmem>>, vector<1x128xf32>,
      %get3A_41 = arith.constant 1 : index
      %get3A_42 = arith.constant 0 : index
      %get3A_43 = vector.load %arg6[%get3A_41, %get3A_42] : memref<2x128xf32, #tpu.memory_space<vmem>>, vector<1x128xf32>
      %add3A_44 = arith.addf %get3A_43, %broadcast_in_dim3A_22 : vector<1x128xf32>
      %swap3A_45 = arith.constant 1 : index
      %swap3A_46 = arith.constant 0 : index
      %swap3A_47 = vector.load %arg6[%swap3A_45, %swap3A_46] : memref<2x128xf32, #tpu.memory_space<vmem>>, vector<1x128xf32>
      tpu.vector_store %arg6[%swap3A_45, %swap3A_46], %add3A_44 {strides = array<i32>} : memref<2x128xf32, #tpu.memory_space<vmem>>, vector<1x128xf32>,
    } else {
    }
    %eq3A_29 = arith.constant 9 : i32
    %eq3A_30 = arith.cmpi eq, %arg0, %eq3A_29 : i32
    %convert_element_type3A_31 = arith.extui %eq3A_30 : i1 to i32
    %cond3A_32 = arith.constant 0 : i32
    %cond3A_33 = arith.cmpi ne, %convert_element_type3A_31, %cond3A_32 : i32
    scf.if %cond3A_33 {
      %get3A_34 = arith.constant 0 : index
      %get3A_35 = arith.constant 0 : index
      %get3A_36 = vector.load %arg6[%get3A_34, %get3A_35] : memref<2x128xf32, #tpu.memory_space<vmem>>, vector<2x128xf32>
      %swap3A_37 = arith.constant 0 : index
      %swap3A_38 = arith.constant 0 : index
      %swap3A_39 = vector.load %arg5[%swap3A_37, %swap3A_38] : memref<2x128xf32, #tpu.memory_space<vmem>>, vector<2x128xf32>
      tpu.vector_store %arg5[%swap3A_37, %swap3A_38], %get3A_36 {strides = array<i32>} : memref<2x128xf32, #tpu.memory_space<vmem>>, vector<2x128xf32>,
    } else {
    }
    return
  }
  func.func @transform_0(%arg0: i32) -> (i32, i32) {
    %c0_i32 = arith.constant 0 : i32
    %c0_i32_0 = arith.constant 0 : i32
    return %arg0, %c0_i32 : i32, i32
  }
  func.func @transform_1(%arg0: i32) -> (i32, i32, i32) {
    %c0_i32 = arith.constant 0 : i32
    %c0_i32_0 = arith.constant 0 : i32
    %c0_i32_1 = arith.constant 0 : i32
    return %c0_i32, %arg0, %c0_i32_0 : i32, i32, i32
  }
  func.func @transform_2(%arg0: i32) -> (i32, i32) {
    %c0_i32 = arith.constant 0 : i32
    %c0_i32_0 = arith.constant 0 : i32
    return %arg0, %c0_i32 : i32, i32
  }
  func.func @transform_3(%arg0: i32) -> (i32, i32) {
    %c0_i32 = arith.constant 0 : i32
    %c0_i32_0 = arith.constant 0 : i32
    return %arg0, %c0_i32 : i32, i32
  }
  func.func @transform_4(%arg0: i32) -> (i32, i32) {
    %c0_i32 = arith.constant 0 : i32
    %c0_i32_0 = arith.constant 0 : i32
    %c0_i32_1 = arith.constant 0 : i32
    return %c0_i32, %c0_i32_0 : i32, i32
  }
}

module attributes {stable_mosaic.version = 14 : i64} {
  func.func @_k_stats(%arg0: i32, %arg1: memref<1000x128xf32, #tpu.memory_space<vmem>>, %arg2: memref<2x128xf32, #tpu.memory_space<vmem>>, %arg3: memref<1x128xf32, #tpu.memory_space<vmem>>, %arg4: memref<1x128xf32, #tpu.memory_space<vmem>>, %arg5: memref<2x128xf32, #tpu.memory_space<vmem>>, %arg6: memref<2x128xf32, #tpu.memory_space<vmem>>) attributes {dimension_semantics = [#tpu.dimension_semantics<arbitrary>], iteration_bounds = array<i64: 310>, scalar_prefetch = 0 : i64, scratch_operands = 1 : i64, tpu.core_type = #tpu.core_type<tc>, window_params = [{transform_indices = @transform_0, window_bounds = array<i64: 1000, 128>}, {pipeline_mode = #tpu.pipeline_mode<synchronous>, transform_indices = @transform_1, window_bounds = array<i64: 2, 128>}, {pipeline_mode = #tpu.pipeline_mode<synchronous>, transform_indices = @transform_2, window_bounds = array<i64: 1, 128>}, {pipeline_mode = #tpu.pipeline_mode<synchronous>, transform_indices = @transform_3, window_bounds = array<i64: 1, 128>}, {pipeline_mode = #tpu.pipeline_mode<synchronous>, transform_indices = @transform_4, window_bounds = array<i64: 2, 128>}]} {
    %get3A = arith.constant 0 : index
    %get3A_0 = arith.constant 0 : index
    %get3A_1 = vector.load %arg1[%get3A, %get3A_0] : memref<1000x128xf32, #tpu.memory_space<vmem>>, vector<1000x128xf32>
    %reduce_sum3A = arith.constant dense<0.000000e+00> : vector<128xf32>
    %reduce_sum3A_2 = vector.multi_reduction <add>, %get3A_1, %reduce_sum3A [0] : vector<1000x128xf32> to vector<128xf32>
    %broadcast_in_dim3A = vector.shape_cast %reduce_sum3A_2 : vector<128xf32> to vector<1x128xf32>
    %mul3A = arith.mulf %get3A_1, %get3A_1 : vector<1000x128xf32>
    %reduce_sum3A_3 = arith.constant dense<0.000000e+00> : vector<128xf32>
    %reduce_sum3A_4 = vector.multi_reduction <add>, %mul3A, %reduce_sum3A_3 [0] : vector<1000x128xf32> to vector<128xf32>
    %broadcast_in_dim3A_5 = vector.shape_cast %reduce_sum3A_4 : vector<128xf32> to vector<1x128xf32>
    %eq3A = arith.constant 0 : i32
    %eq3A_6 = arith.cmpi eq, %arg0, %eq3A : i32
    %convert_element_type3A = arith.extui %eq3A_6 : i1 to i32
    %cond3A = arith.constant 0 : i32
    %cond3A_7 = arith.cmpi ne, %convert_element_type3A, %cond3A : i32
    scf.if %cond3A_7 {
      %get3A_17 = arith.constant 0 : index
      %get3A_18 = arith.constant 0 : index
      %get3A_19 = vector.load %arg2[%get3A_17, %get3A_18] : memref<2x128xf32, #tpu.memory_space<vmem>>, vector<1x128xf32>
      %add3A = arith.addf %get3A_19, %broadcast_in_dim3A : vector<1x128xf32>
      %swap3A = arith.constant 0 : index
      %swap3A_20 = arith.constant 0 : index
      %swap3A_21 = vector.load %arg6[%swap3A, %swap3A_20] : memref<2x128xf32, #tpu.memory_space<vmem>>, vector<1x128xf32>
      tpu.vector_store %arg6[%swap3A, %swap3A_20], %add3A {strides = array<i32>} : memref<2x128xf32, #tpu.memory_space<vmem>>, vector<1x128xf32>,
      %get3A_22 = arith.constant 1 : index
      %get3A_23 = arith.constant 0 : index
      %get3A_24 = vector.load %arg2[%get3A_22, %get3A_23] : memref<2x128xf32, #tpu.memory_space<vmem>>, vector<1x128xf32>
      %add3A_25 = arith.addf %get3A_24, %broadcast_in_dim3A_5 : vector<1x128xf32>
      %swap3A_26 = arith.constant 1 : index
      %swap3A_27 = arith.constant 0 : index
      %swap3A_28 = vector.load %arg6[%swap3A_26, %swap3A_27] : memref<2x128xf32, #tpu.memory_space<vmem>>, vector<1x128xf32>
      tpu.vector_store %arg6[%swap3A_26, %swap3A_27], %add3A_25 {strides = array<i32>} : memref<2x128xf32, #tpu.memory_space<vmem>>, vector<1x128xf32>,
    } else {
    }
    %gt3A = arith.constant 0 : i32
    %gt3A_8 = arith.cmpi sgt, %arg0, %gt3A : i32
    %convert_element_type3A_9 = arith.extui %gt3A_8 : i1 to i32
    %cond3A_10 = arith.constant 0 : i32
    %cond3A_11 = arith.cmpi ne, %convert_element_type3A_9, %cond3A_10 : i32
    scf.if %cond3A_11 {
      %get3A_17 = arith.constant 0 : index
      %get3A_18 = arith.constant 0 : index
      %get3A_19 = vector.load %arg6[%get3A_17, %get3A_18] : memref<2x128xf32, #tpu.memory_space<vmem>>, vector<1x128xf32>
      %add3A = arith.addf %get3A_19, %broadcast_in_dim3A : vector<1x128xf32>
      %swap3A = arith.constant 0 : index
      %swap3A_20 = arith.constant 0 : index
      %swap3A_21 = vector.load %arg6[%swap3A, %swap3A_20] : memref<2x128xf32, #tpu.memory_space<vmem>>, vector<1x128xf32>
      tpu.vector_store %arg6[%swap3A, %swap3A_20], %add3A {strides = array<i32>} : memref<2x128xf32, #tpu.memory_space<vmem>>, vector<1x128xf32>,
      %get3A_22 = arith.constant 1 : index
      %get3A_23 = arith.constant 0 : index
      %get3A_24 = vector.load %arg6[%get3A_22, %get3A_23] : memref<2x128xf32, #tpu.memory_space<vmem>>, vector<1x128xf32>
      %add3A_25 = arith.addf %get3A_24, %broadcast_in_dim3A_5 : vector<1x128xf32>
      %swap3A_26 = arith.constant 1 : index
      %swap3A_27 = arith.constant 0 : index
      %swap3A_28 = vector.load %arg6[%swap3A_26, %swap3A_27] : memref<2x128xf32, #tpu.memory_space<vmem>>, vector<1x128xf32>
      tpu.vector_store %arg6[%swap3A_26, %swap3A_27], %add3A_25 {strides = array<i32>} : memref<2x128xf32, #tpu.memory_space<vmem>>, vector<1x128xf32>,
    } else {
    }
    %eq3A_12 = arith.constant 309 : i32
    %eq3A_13 = arith.cmpi eq, %arg0, %eq3A_12 : i32
    %convert_element_type3A_14 = arith.extui %eq3A_13 : i1 to i32
    %cond3A_15 = arith.constant 0 : i32
    %cond3A_16 = arith.cmpi ne, %convert_element_type3A_14, %cond3A_15 : i32
    scf.if %cond3A_16 {
      %get3A_17 = arith.constant 0 : index
      %get3A_18 = arith.constant 0 : index
      %get3A_19 = vector.load %arg6[%get3A_17, %get3A_18] : memref<2x128xf32, #tpu.memory_space<vmem>>, vector<1x128xf32>
      %mul3A_20 = arith.constant 3.125000e-06 : f32
      %mul3A_21 = vector.broadcast %mul3A_20 : f32 to vector<1x128xf32>
      %mul3A_22 = arith.mulf %get3A_19, %mul3A_21 : vector<1x128xf32>
      %get3A_23 = arith.constant 1 : index
      %get3A_24 = arith.constant 0 : index
      %get3A_25 = vector.load %arg6[%get3A_23, %get3A_24] : memref<2x128xf32, #tpu.memory_space<vmem>>, vector<1x128xf32>
      %mul3A_26 = arith.constant 3.125000e-06 : f32
      %mul3A_27 = vector.broadcast %mul3A_26 : f32 to vector<1x128xf32>
      %mul3A_28 = arith.mulf %get3A_25, %mul3A_27 : vector<1x128xf32>
      %mul3A_29 = arith.mulf %mul3A_22, %mul3A_22 : vector<1x128xf32>
      %sub3A = arith.subf %mul3A_28, %mul3A_29 : vector<1x128xf32>
      %get3A_30 = arith.constant 0 : index
      %get3A_31 = arith.constant 0 : index
      %get3A_32 = vector.load %arg3[%get3A_30, %get3A_31] : memref<1x128xf32, #tpu.memory_space<vmem>>, vector<1x128xf32>
      %add3A = arith.constant 9.99999974E-6 : f32
      %add3A_33 = vector.broadcast %add3A : f32 to vector<1x128xf32>
      %add3A_34 = arith.addf %sub3A, %add3A_33 : vector<1x128xf32>
      %rsqrt3A = math.rsqrt %add3A_34 : vector<1x128xf32>
      %mul3A_35 = arith.mulf %get3A_32, %rsqrt3A : vector<1x128xf32>
      %get3A_36 = arith.constant 0 : index
      %get3A_37 = arith.constant 0 : index
      %get3A_38 = vector.load %arg4[%get3A_36, %get3A_37] : memref<1x128xf32, #tpu.memory_space<vmem>>, vector<1x128xf32>
      %mul3A_39 = arith.mulf %mul3A_22, %mul3A_35 : vector<1x128xf32>
      %sub3A_40 = arith.subf %get3A_38, %mul3A_39 : vector<1x128xf32>
      %swap3A = arith.constant 0 : index
      %swap3A_41 = arith.constant 0 : index
      %swap3A_42 = vector.load %arg5[%swap3A, %swap3A_41] : memref<2x128xf32, #tpu.memory_space<vmem>>, vector<1x128xf32>
      tpu.vector_store %arg5[%swap3A, %swap3A_41], %mul3A_35 {strides = array<i32>} : memref<2x128xf32, #tpu.memory_space<vmem>>, vector<1x128xf32>,
      %swap3A_43 = arith.constant 1 : index
      %swap3A_44 = arith.constant 0 : index
      %swap3A_45 = vector.load %arg5[%swap3A_43, %swap3A_44] : memref<2x128xf32, #tpu.memory_space<vmem>>, vector<1x128xf32>
      tpu.vector_store %arg5[%swap3A_43, %swap3A_44], %sub3A_40 {strides = array<i32>} : memref<2x128xf32, #tpu.memory_space<vmem>>, vector<1x128xf32>,
    } else {
    }
    return
  }
  func.func @transform_0(%arg0: i32) -> (i32, i32) {
    %add3A = arith.constant 10 : i32
    %add3A_0 = arith.addi %arg0, %add3A : i32
    %c0_i32 = arith.constant 0 : i32
    %c0_i32_1 = arith.constant 0 : i32
    return %add3A_0, %c0_i32 : i32, i32
  }
  func.func @transform_1(%arg0: i32) -> (i32, i32) {
    %c0_i32 = arith.constant 0 : i32
    %c0_i32_0 = arith.constant 0 : i32
    %c0_i32_1 = arith.constant 0 : i32
    return %c0_i32, %c0_i32_0 : i32, i32
  }
  func.func @transform_2(%arg0: i32) -> (i32, i32) {
    %c0_i32 = arith.constant 0 : i32
    %c0_i32_0 = arith.constant 0 : i32
    %c0_i32_1 = arith.constant 0 : i32
    return %c0_i32, %c0_i32_0 : i32, i32
  }
  func.func @transform_3(%arg0: i32) -> (i32, i32) {
    %c0_i32 = arith.constant 0 : i32
    %c0_i32_0 = arith.constant 0 : i32
    %c0_i32_1 = arith.constant 0 : i32
    return %c0_i32, %c0_i32_0 : i32, i32
  }
  func.func @transform_4(%arg0: i32) -> (i32, i32) {
    %c0_i32 = arith.constant 0 : i32
    %c0_i32_0 = arith.constant 0 : i32
    %c0_i32_1 = arith.constant 0 : i32
    return %c0_i32, %c0_i32_0 : i32, i32
  }
}

module attributes {stable_mosaic.version = 14 : i64} {
  func.func @_k_h2low(%arg0: i32, %arg1: memref<1000x128xf32, #tpu.memory_space<vmem>>, %arg2: memref<2x128xf32, #tpu.memory_space<vmem>>, %arg3: memref<128x128xf32, #tpu.memory_space<vmem>>, %arg4: memref<1000x128xf32, #tpu.memory_space<vmem>>, %arg5: memref<1000x128xf32, #tpu.memory_space<vmem>>) attributes {dimension_semantics = [#tpu.dimension_semantics<arbitrary>], iteration_bounds = array<i64: 10>, scalar_prefetch = 0 : i64, scratch_operands = 0 : i64, tpu.core_type = #tpu.core_type<tc>, window_params = [{transform_indices = @transform_0, window_bounds = array<i64: 1000, 128>}, {pipeline_mode = #tpu.pipeline_mode<synchronous>, transform_indices = @transform_1, window_bounds = array<i64: 2, 128>}, {pipeline_mode = #tpu.pipeline_mode<synchronous>, transform_indices = @transform_2, window_bounds = array<i64: 128, 128>}, {transform_indices = @transform_3, window_bounds = array<i64: 1000, 128>}, {transform_indices = @transform_4, window_bounds = array<i64: 1000, 128>}]} {
    %get3A = arith.constant 0 : index
    %get3A_0 = arith.constant 0 : index
    %get3A_1 = vector.load %arg1[%get3A, %get3A_0] : memref<1000x128xf32, #tpu.memory_space<vmem>>, vector<1000x128xf32>
    %get3A_2 = arith.constant 0 : index
    %get3A_3 = arith.constant 0 : index
    %get3A_4 = vector.load %arg2[%get3A_2, %get3A_3] : memref<2x128xf32, #tpu.memory_space<vmem>>, vector<1x128xf32>
    %mul3A = vector.broadcast %get3A_4 : vector<1x128xf32> to vector<1000x128xf32>
    %mul3A_5 = arith.mulf %get3A_1, %mul3A : vector<1000x128xf32>
    %get3A_6 = arith.constant 1 : index
    %get3A_7 = arith.constant 0 : index
    %get3A_8 = vector.load %arg2[%get3A_6, %get3A_7] : memref<2x128xf32, #tpu.memory_space<vmem>>, vector<1x128xf32>
    %add3A = vector.broadcast %get3A_8 : vector<1x128xf32> to vector<1000x128xf32>
    %add3A_9 = arith.addf %mul3A_5, %add3A : vector<1000x128xf32>
    %max3A = arith.constant 0.000000e+00 : f32
    %max3A_10 = vector.broadcast %max3A : f32 to vector<1000x128xf32>
    %max3A_11 = arith.maximumf %add3A_9, %max3A_10 : vector<1000x128xf32>
    %get3A_12 = arith.constant 0 : index
    %get3A_13 = arith.constant 0 : index
    %get3A_14 = vector.load %arg3[%get3A_12, %get3A_13] : memref<128x128xf32, #tpu.memory_space<vmem>>, vector<128x128xf32>
    %dot_general3A = arith.constant dense<0.000000e+00> : vector<1000x128xf32>
    %dot_general3A_15 = tpu.matmul %max3A_11, %get3A_14, %dot_general3A {dimension_numbers = #tpu.dot_dimension_numbers<[1], [0], [0], [1], [0, 0, 1, 1], [], []>, transpose_lhs_hint = false} : vector<1000x128xf32>, vector<128x128xf32>, vector<1000x128xf32> -> vector<1000x128xf32>
    %get3A_16 = arith.constant 0 : index
    %get3A_17 = arith.constant 0 : index
    %get3A_18 = vector.load %arg4[%get3A_16, %get3A_17] : memref<1000x128xf32, #tpu.memory_space<vmem>>, vector<1000x128xf32>
    %mul3A_19 = arith.mulf %dot_general3A_15, %get3A_18 : vector<1000x128xf32>
    %swap3A = arith.constant 0 : index
    %swap3A_20 = arith.constant 0 : index
    %swap3A_21 = vector.load %arg5[%swap3A, %swap3A_20] : memref<1000x128xf32, #tpu.memory_space<vmem>>, vector<1000x128xf32>
    tpu.vector_store %arg5[%swap3A, %swap3A_20], %mul3A_19 {strides = array<i32>} : memref<1000x128xf32, #tpu.memory_space<vmem>>, vector<1000x128xf32>,
    return
  }
  func.func @transform_0(%arg0: i32) -> (i32, i32) {
    %c0_i32 = arith.constant 0 : i32
    %c0_i32_0 = arith.constant 0 : i32
    return %arg0, %c0_i32 : i32, i32
  }
  func.func @transform_1(%arg0: i32) -> (i32, i32) {
    %c0_i32 = arith.constant 0 : i32
    %c0_i32_0 = arith.constant 0 : i32
    %c0_i32_1 = arith.constant 0 : i32
    return %c0_i32, %c0_i32_0 : i32, i32
  }
  func.func @transform_2(%arg0: i32) -> (i32, i32) {
    %c0_i32 = arith.constant 0 : i32
    %c0_i32_0 = arith.constant 0 : i32
    %c0_i32_1 = arith.constant 0 : i32
    return %c0_i32, %c0_i32_0 : i32, i32
  }
  func.func @transform_3(%arg0: i32) -> (i32, i32) {
    %c0_i32 = arith.constant 0 : i32
    %c0_i32_0 = arith.constant 0 : i32
    return %arg0, %c0_i32 : i32, i32
  }
  func.func @transform_4(%arg0: i32) -> (i32, i32) {
    %c0_i32 = arith.constant 0 : i32
    %c0_i32_0 = arith.constant 0 : i32
    return %arg0, %c0_i32 : i32, i32
  }
}

module attributes {stable_mosaic.version = 14 : i64} {
  func.func @_k_phase2(%arg0: i32, %arg1: memref<1000x128xf32, #tpu.memory_space<vmem>>, %arg2: memref<2x128xf32, #tpu.memory_space<vmem>>, %arg3: memref<128x128xf32, #tpu.memory_space<vmem>>, %arg4: memref<1x128xf32, #tpu.memory_space<vmem>>, %arg5: memref<1x128xf32, #tpu.memory_space<vmem>>, %arg6: memref<1x128xf32, #tpu.memory_space<vmem>>, %arg7: memref<128x1xf32, #tpu.memory_space<vmem>>, %arg8: memref<1x1xf32, #tpu.memory_space<vmem>>, %arg9: memref<1000x1xf32, #tpu.memory_space<vmem>>) attributes {dimension_semantics = [#tpu.dimension_semantics<arbitrary>], iteration_bounds = array<i64: 310>, scalar_prefetch = 0 : i64, scratch_operands = 0 : i64, tpu.core_type = #tpu.core_type<tc>, window_params = [{transform_indices = @transform_0, window_bounds = array<i64: 1000, 128>}, {pipeline_mode = #tpu.pipeline_mode<synchronous>, transform_indices = @transform_1, window_bounds = array<i64: 2, 128>}, {pipeline_mode = #tpu.pipeline_mode<synchronous>, transform_indices = @transform_2, window_bounds = array<i64: 128, 128>}, {pipeline_mode = #tpu.pipeline_mode<synchronous>, transform_indices = @transform_3, window_bounds = array<i64: 1, 128>}, {pipeline_mode = #tpu.pipeline_mode<synchronous>, transform_indices = @transform_4, window_bounds = array<i64: 1, 128>}, {pipeline_mode = #tpu.pipeline_mode<synchronous>, transform_indices = @transform_5, window_bounds = array<i64: 1, 128>}, {pipeline_mode = #tpu.pipeline_mode<synchronous>, transform_indices = @transform_6, window_bounds = array<i64: 128, 1>}, {pipeline_mode = #tpu.pipeline_mode<synchronous>, transform_indices = @transform_7, window_bounds = array<i64: 1, 1>}, {transform_indices = @transform_8, window_bounds = array<i64: 1000, 1>}]} {
    %get3A = arith.constant 0 : index
    %get3A_0 = arith.constant 0 : index
    %get3A_1 = vector.load %arg1[%get3A, %get3A_0] : memref<1000x128xf32, #tpu.memory_space<vmem>>, vector<1000x128xf32>
    %get3A_2 = arith.constant 0 : index
    %get3A_3 = arith.constant 0 : index
    %get3A_4 = vector.load %arg2[%get3A_2, %get3A_3] : memref<2x128xf32, #tpu.memory_space<vmem>>, vector<1x128xf32>
    %mul3A = vector.broadcast %get3A_4 : vector<1x128xf32> to vector<1000x128xf32>
    %mul3A_5 = arith.mulf %get3A_1, %mul3A : vector<1000x128xf32>
    %get3A_6 = arith.constant 1 : index
    %get3A_7 = arith.constant 0 : index
    %get3A_8 = vector.load %arg2[%get3A_6, %get3A_7] : memref<2x128xf32, #tpu.memory_space<vmem>>, vector<1x128xf32>
    %add3A = vector.broadcast %get3A_8 : vector<1x128xf32> to vector<1000x128xf32>
    %add3A_9 = arith.addf %mul3A_5, %add3A : vector<1000x128xf32>
    %max3A = arith.constant 0.000000e+00 : f32
    %max3A_10 = vector.broadcast %max3A : f32 to vector<1000x128xf32>
    %max3A_11 = arith.maximumf %add3A_9, %max3A_10 : vector<1000x128xf32>
    %get3A_12 = arith.constant 0 : index
    %get3A_13 = arith.constant 0 : index
    %get3A_14 = vector.load %arg3[%get3A_12, %get3A_13] : memref<128x128xf32, #tpu.memory_space<vmem>>, vector<128x128xf32>
    %dot_general3A = arith.constant dense<0.000000e+00> : vector<1000x128xf32>
    %dot_general3A_15 = tpu.matmul %max3A_11, %get3A_14, %dot_general3A {dimension_numbers = #tpu.dot_dimension_numbers<[1], [0], [0], [1], [0, 0, 1, 1], [], []>, transpose_lhs_hint = false} : vector<1000x128xf32>, vector<128x128xf32>, vector<1000x128xf32> -> vector<1000x128xf32>
    %get3A_16 = arith.constant 0 : index
    %get3A_17 = arith.constant 0 : index
    %get3A_18 = vector.load %arg4[%get3A_16, %get3A_17] : memref<1x128xf32, #tpu.memory_space<vmem>>, vector<1x128xf32>
    %add3A_19 = vector.broadcast %get3A_18 : vector<1x128xf32> to vector<1000x128xf32>
    %add3A_20 = arith.addf %dot_general3A_15, %add3A_19 : vector<1000x128xf32>
    %reduce_sum3A = arith.constant dense<0.000000e+00> : vector<1000xf32>
    %reduce_sum3A_21 = vector.multi_reduction <add>, %add3A_20, %reduce_sum3A [1] : vector<1000x128xf32> to vector<1000xf32>
    %broadcast_in_dim3A = vector.shape_cast %reduce_sum3A_21 : vector<1000xf32> to vector<1000x1xf32>
    %div3A = arith.constant 1.280000e+02 : f32
    %div3A_22 = vector.broadcast %div3A : f32 to vector<1000x1xf32>
    %div3A_23 = arith.divf %broadcast_in_dim3A, %div3A_22 : vector<1000x1xf32>
    %sub3A = vector.broadcast %div3A_23 : vector<1000x1xf32> to vector<1000x128xf32>
    %sub3A_24 = arith.subf %add3A_20, %sub3A : vector<1000x128xf32>
    %mul3A_25 = arith.mulf %sub3A_24, %sub3A_24 : vector<1000x128xf32>
    %reduce_sum3A_26 = arith.constant dense<0.000000e+00> : vector<1000xf32>
    %reduce_sum3A_27 = vector.multi_reduction <add>, %mul3A_25, %reduce_sum3A_26 [1] : vector<1000x128xf32> to vector<1000xf32>
    %broadcast_in_dim3A_28 = vector.shape_cast %reduce_sum3A_27 : vector<1000xf32> to vector<1000x1xf32>
    %div3A_29 = arith.constant 1.280000e+02 : f32
    %div3A_30 = vector.broadcast %div3A_29 : f32 to vector<1000x1xf32>
    %div3A_31 = arith.divf %broadcast_in_dim3A_28, %div3A_30 : vector<1000x1xf32>
    %add3A_32 = arith.constant 9.99999974E-6 : f32
    %add3A_33 = vector.broadcast %add3A_32 : f32 to vector<1000x1xf32>
    %add3A_34 = arith.addf %div3A_31, %add3A_33 : vector<1000x1xf32>
    %rsqrt3A = math.rsqrt %add3A_34 : vector<1000x1xf32>
    %mul3A_35 = vector.broadcast %rsqrt3A : vector<1000x1xf32> to vector<1000x128xf32>
    %mul3A_36 = arith.mulf %sub3A_24, %mul3A_35 : vector<1000x128xf32>
    %get3A_37 = arith.constant 0 : index
    %get3A_38 = arith.constant 0 : index
    %get3A_39 = vector.load %arg5[%get3A_37, %get3A_38] : memref<1x128xf32, #tpu.memory_space<vmem>>, vector<1x128xf32>
    %mul3A_40 = vector.broadcast %get3A_39 : vector<1x128xf32> to vector<1000x128xf32>
    %mul3A_41 = arith.mulf %mul3A_36, %mul3A_40 : vector<1000x128xf32>
    %get3A_42 = arith.constant 0 : index
    %get3A_43 = arith.constant 0 : index
    %get3A_44 = vector.load %arg6[%get3A_42, %get3A_43] : memref<1x128xf32, #tpu.memory_space<vmem>>, vector<1x128xf32>
    %add3A_45 = vector.broadcast %get3A_44 : vector<1x128xf32> to vector<1000x128xf32>
    %add3A_46 = arith.addf %mul3A_41, %add3A_45 : vector<1000x128xf32>
    %max3A_47 = arith.constant 0.000000e+00 : f32
    %max3A_48 = vector.broadcast %max3A_47 : f32 to vector<1000x128xf32>
    %max3A_49 = arith.maximumf %add3A_46, %max3A_48 : vector<1000x128xf32>
    %get3A_50 = arith.constant 0 : index
    %get3A_51 = arith.constant 0 : index
    %get3A_52 = vector.load %arg7[%get3A_50, %get3A_51] : memref<128x1xf32, #tpu.memory_space<vmem>>, vector<128x1xf32>
    %dot_general3A_53 = arith.constant dense<0.000000e+00> : vector<1000x1xf32>
    %dot_general3A_54 = tpu.matmul %max3A_49, %get3A_52, %dot_general3A_53 {dimension_numbers = #tpu.dot_dimension_numbers<[1], [0], [0], [1], [0, 0, 1, 1], [], []>, transpose_lhs_hint = false} : vector<1000x128xf32>, vector<128x1xf32>, vector<1000x1xf32> -> vector<1000x1xf32>
    %get3A_55 = arith.constant 0 : index
    %get3A_56 = arith.constant 0 : index
    %get3A_57 = vector.load %arg8[%get3A_55, %get3A_56] : memref<1x1xf32, #tpu.memory_space<vmem>>, vector<1x1xf32>
    %get3A_58 = vector.extract %get3A_57[0, 0] : f32 from vector<1x1xf32>
    %add3A_59 = vector.broadcast %get3A_58 : f32 to vector<1000x1xf32>
    %add3A_60 = arith.addf %dot_general3A_54, %add3A_59 : vector<1000x1xf32>
    %swap3A = arith.constant 0 : index
    %swap3A_61 = arith.constant 0 : index
    %swap3A_62 = vector.load %arg9[%swap3A, %swap3A_61] : memref<1000x1xf32, #tpu.memory_space<vmem>>, vector<1000x1xf32>
    tpu.vector_store %arg9[%swap3A, %swap3A_61], %add3A_60 {strides = array<i32>} : memref<1000x1xf32, #tpu.memory_space<vmem>>, vector<1000x1xf32>,
    return
  }
  func.func @transform_0(%arg0: i32) -> (i32, i32) {
    %add3A = arith.constant 10 : i32
    %add3A_0 = arith.addi %arg0, %add3A : i32
    %c0_i32 = arith.constant 0 : i32
    %c0_i32_1 = arith.constant 0 : i32
    return %add3A_0, %c0_i32 : i32, i32
  }
  func.func @transform_1(%arg0: i32) -> (i32, i32) {
    %c0_i32 = arith.constant 0 : i32
    %c0_i32_0 = arith.constant 0 : i32
    %c0_i32_1 = arith.constant 0 : i32
    return %c0_i32, %c0_i32_0 : i32, i32
  }
  func.func @transform_2(%arg0: i32) -> (i32, i32) {
    %c0_i32 = arith.constant 0 : i32
    %c0_i32_0 = arith.constant 0 : i32
    %c0_i32_1 = arith.constant 0 : i32
    return %c0_i32, %c0_i32_0 : i32, i32
  }
  func.func @transform_3(%arg0: i32) -> (i32, i32) {
    %c0_i32 = arith.constant 0 : i32
    %c0_i32_0 = arith.constant 0 : i32
    %c0_i32_1 = arith.constant 0 : i32
    return %c0_i32, %c0_i32_0 : i32, i32
  }
  func.func @transform_4(%arg0: i32) -> (i32, i32) {
    %c0_i32 = arith.constant 0 : i32
    %c0_i32_0 = arith.constant 0 : i32
    %c0_i32_1 = arith.constant 0 : i32
    return %c0_i32, %c0_i32_0 : i32, i32
  }
  func.func @transform_5(%arg0: i32) -> (i32, i32) {
    %c0_i32 = arith.constant 0 : i32
    %c0_i32_0 = arith.constant 0 : i32
    %c0_i32_1 = arith.constant 0 : i32
    return %c0_i32, %c0_i32_0 : i32, i32
  }
  func.func @transform_6(%arg0: i32) -> (i32, i32) {
    %c0_i32 = arith.constant 0 : i32
    %c0_i32_0 = arith.constant 0 : i32
    %c0_i32_1 = arith.constant 0 : i32
    return %c0_i32, %c0_i32_0 : i32, i32
  }
  func.func @transform_7(%arg0: i32) -> (i32, i32) {
    %c0_i32 = arith.constant 0 : i32
    %c0_i32_0 = arith.constant 0 : i32
    %c0_i32_1 = arith.constant 0 : i32
    return %c0_i32, %c0_i32_0 : i32, i32
  }
  func.func @transform_8(%arg0: i32) -> (i32, i32) {
    %c0_i32 = arith.constant 0 : i32
    %c0_i32_0 = arith.constant 0 : i32
    return %arg0, %c0_i32 : i32, i32
  }
}

module attributes {stable_mosaic.version = 14 : i64} {
  func.func @_k_final(%arg0: i32, %arg1: memref<1000x128xf32, #tpu.memory_space<vmem>>, %arg2: memref<2x1000x128xf32, #tpu.memory_space<vmem>>, %arg3: memref<1000x128xf32, #tpu.memory_space<vmem>>, %arg4: memref<1x128xf32, #tpu.memory_space<vmem>>, %arg5: memref<1x128xf32, #tpu.memory_space<vmem>>, %arg6: memref<1x128xf32, #tpu.memory_space<vmem>>, %arg7: memref<128x1xf32, #tpu.memory_space<vmem>>, %arg8: memref<1x1xf32, #tpu.memory_space<vmem>>, %arg9: memref<1000x1xf32, #tpu.memory_space<vmem>>) attributes {dimension_semantics = [#tpu.dimension_semantics<arbitrary>], iteration_bounds = array<i64: 10>, scalar_prefetch = 0 : i64, scratch_operands = 0 : i64, tpu.core_type = #tpu.core_type<tc>, window_params = [{transform_indices = @transform_0, window_bounds = array<i64: 1000, 128>}, {transform_indices = @transform_1, window_bounds = array<i64: 2, 1000, 128>}, {transform_indices = @transform_2, window_bounds = array<i64: 1000, 128>}, {pipeline_mode = #tpu.pipeline_mode<synchronous>, transform_indices = @transform_3, window_bounds = array<i64: 1, 128>}, {pipeline_mode = #tpu.pipeline_mode<synchronous>, transform_indices = @transform_4, window_bounds = array<i64: 1, 128>}, {pipeline_mode = #tpu.pipeline_mode<synchronous>, transform_indices = @transform_5, window_bounds = array<i64: 1, 128>}, {pipeline_mode = #tpu.pipeline_mode<synchronous>, transform_indices = @transform_6, window_bounds = array<i64: 128, 1>}, {pipeline_mode = #tpu.pipeline_mode<synchronous>, transform_indices = @transform_7, window_bounds = array<i64: 1, 1>}, {transform_indices = @transform_8, window_bounds = array<i64: 1000, 1>}]} {
    %get3A = arith.constant 0 : index
    %get3A_0 = arith.constant 0 : index
    %get3A_1 = vector.load %arg3[%get3A, %get3A_0] : memref<1000x128xf32, #tpu.memory_space<vmem>>, vector<1000x128xf32>
    %get3A_2 = arith.constant 0 : index
    %get3A_3 = arith.constant 0 : index
    %get3A_4 = vector.load %arg1[%get3A_2, %get3A_3] : memref<1000x128xf32, #tpu.memory_space<vmem>>, vector<1000x128xf32>
    %get3A_5 = arith.constant 0 : index
    %get3A_6 = arith.constant 0 : index
    %get3A_7 = arith.constant 0 : index
    %get3A_8 = vector.load %arg2[%get3A_5, %get3A_6, %get3A_7] : memref<2x1000x128xf32, #tpu.memory_space<vmem>>, vector<1x1000x128xf32>
    %get3A_9 = vector.shape_cast %get3A_8 : vector<1x1000x128xf32> to vector<1000x128xf32>
    %add3A = arith.addf %get3A_4, %get3A_9 : vector<1000x128xf32>
    %get3A_10 = arith.constant 1 : index
    %get3A_11 = arith.constant 0 : index
    %get3A_12 = arith.constant 0 : index
    %get3A_13 = vector.load %arg2[%get3A_10, %get3A_11, %get3A_12] : memref<2x1000x128xf32, #tpu.memory_space<vmem>>, vector<1x1000x128xf32>
    %get3A_14 = vector.shape_cast %get3A_13 : vector<1x1000x128xf32> to vector<1000x128xf32>
    %add3A_15 = arith.addf %add3A, %get3A_14 : vector<1000x128xf32>
    %mul3A = arith.mulf %get3A_1, %add3A_15 : vector<1000x128xf32>
    %get3A_16 = arith.constant 0 : index
    %get3A_17 = arith.constant 0 : index
    %get3A_18 = vector.load %arg4[%get3A_16, %get3A_17] : memref<1x128xf32, #tpu.memory_space<vmem>>, vector<1x128xf32>
    %add3A_19 = vector.broadcast %get3A_18 : vector<1x128xf32> to vector<1000x128xf32>
    %add3A_20 = arith.addf %mul3A, %add3A_19 : vector<1000x128xf32>
    %reduce_sum3A = arith.constant dense<0.000000e+00> : vector<1000xf32>
    %reduce_sum3A_21 = vector.multi_reduction <add>, %add3A_20, %reduce_sum3A [1] : vector<1000x128xf32> to vector<1000xf32>
    %broadcast_in_dim3A = vector.shape_cast %reduce_sum3A_21 : vector<1000xf32> to vector<1000x1xf32>
    %div3A = arith.constant 1.280000e+02 : f32
    %div3A_22 = vector.broadcast %div3A : f32 to vector<1000x1xf32>
    %div3A_23 = arith.divf %broadcast_in_dim3A, %div3A_22 : vector<1000x1xf32>
    %sub3A = vector.broadcast %div3A_23 : vector<1000x1xf32> to vector<1000x128xf32>
    %sub3A_24 = arith.subf %add3A_20, %sub3A : vector<1000x128xf32>
    %mul3A_25 = arith.mulf %sub3A_24, %sub3A_24 : vector<1000x128xf32>
    %reduce_sum3A_26 = arith.constant dense<0.000000e+00> : vector<1000xf32>
    %reduce_sum3A_27 = vector.multi_reduction <add>, %mul3A_25, %reduce_sum3A_26 [1] : vector<1000x128xf32> to vector<1000xf32>
    %broadcast_in_dim3A_28 = vector.shape_cast %reduce_sum3A_27 : vector<1000xf32> to vector<1000x1xf32>
    %div3A_29 = arith.constant 1.280000e+02 : f32
    %div3A_30 = vector.broadcast %div3A_29 : f32 to vector<1000x1xf32>
    %div3A_31 = arith.divf %broadcast_in_dim3A_28, %div3A_30 : vector<1000x1xf32>
    %add3A_32 = arith.constant 9.99999974E-6 : f32
    %add3A_33 = vector.broadcast %add3A_32 : f32 to vector<1000x1xf32>
    %add3A_34 = arith.addf %div3A_31, %add3A_33 : vector<1000x1xf32>
    %rsqrt3A = math.rsqrt %add3A_34 : vector<1000x1xf32>
    %mul3A_35 = vector.broadcast %rsqrt3A : vector<1000x1xf32> to vector<1000x128xf32>
    %mul3A_36 = arith.mulf %sub3A_24, %mul3A_35 : vector<1000x128xf32>
    %get3A_37 = arith.constant 0 : index
    %get3A_38 = arith.constant 0 : index
    %get3A_39 = vector.load %arg5[%get3A_37, %get3A_38] : memref<1x128xf32, #tpu.memory_space<vmem>>, vector<1x128xf32>
    %mul3A_40 = vector.broadcast %get3A_39 : vector<1x128xf32> to vector<1000x128xf32>
    %mul3A_41 = arith.mulf %mul3A_36, %mul3A_40 : vector<1000x128xf32>
    %get3A_42 = arith.constant 0 : index
    %get3A_43 = arith.constant 0 : index
    %get3A_44 = vector.load %arg6[%get3A_42, %get3A_43] : memref<1x128xf32, #tpu.memory_space<vmem>>, vector<1x128xf32>
    %add3A_45 = vector.broadcast %get3A_44 : vector<1x128xf32> to vector<1000x128xf32>
    %add3A_46 = arith.addf %mul3A_41, %add3A_45 : vector<1000x128xf32>
    %max3A = arith.constant 0.000000e+00 : f32
    %max3A_47 = vector.broadcast %max3A : f32 to vector<1000x128xf32>
    %max3A_48 = arith.maximumf %add3A_46, %max3A_47 : vector<1000x128xf32>
    %get3A_49 = arith.constant 0 : index
    %get3A_50 = arith.constant 0 : index
    %get3A_51 = vector.load %arg7[%get3A_49, %get3A_50] : memref<128x1xf32, #tpu.memory_space<vmem>>, vector<128x1xf32>
    %dot_general3A = arith.constant dense<0.000000e+00> : vector<1000x1xf32>
    %dot_general3A_52 = tpu.matmul %max3A_48, %get3A_51, %dot_general3A {dimension_numbers = #tpu.dot_dimension_numbers<[1], [0], [0], [1], [0, 0, 1, 1], [], []>, transpose_lhs_hint = false} : vector<1000x128xf32>, vector<128x1xf32>, vector<1000x1xf32> -> vector<1000x1xf32>
    %get3A_53 = arith.constant 0 : index
    %get3A_54 = arith.constant 0 : index
    %get3A_55 = vector.load %arg8[%get3A_53, %get3A_54] : memref<1x1xf32, #tpu.memory_space<vmem>>, vector<1x1xf32>
    %get3A_56 = vector.extract %get3A_55[0, 0] : f32 from vector<1x1xf32>
    %add3A_57 = vector.broadcast %get3A_56 : f32 to vector<1000x1xf32>
    %add3A_58 = arith.addf %dot_general3A_52, %add3A_57 : vector<1000x1xf32>
    %swap3A = arith.constant 0 : index
    %swap3A_59 = arith.constant 0 : index
    %swap3A_60 = vector.load %arg9[%swap3A, %swap3A_59] : memref<1000x1xf32, #tpu.memory_space<vmem>>, vector<1000x1xf32>
    tpu.vector_store %arg9[%swap3A, %swap3A_59], %add3A_58 {strides = array<i32>} : memref<1000x1xf32, #tpu.memory_space<vmem>>, vector<1000x1xf32>,
    return
  }
  func.func @transform_0(%arg0: i32) -> (i32, i32) {
    %c0_i32 = arith.constant 0 : i32
    %c0_i32_0 = arith.constant 0 : i32
    return %arg0, %c0_i32 : i32, i32
  }
  func.func @transform_1(%arg0: i32) -> (i32, i32, i32) {
    %c0_i32 = arith.constant 0 : i32
    %c0_i32_0 = arith.constant 0 : i32
    %c0_i32_1 = arith.constant 0 : i32
    return %c0_i32, %arg0, %c0_i32_0 : i32, i32, i32
  }
  func.func @transform_2(%arg0: i32) -> (i32, i32) {
    %c0_i32 = arith.constant 0 : i32
    %c0_i32_0 = arith.constant 0 : i32
    return %arg0, %c0_i32 : i32, i32
  }
  func.func @transform_3(%arg0: i32) -> (i32, i32) {
    %c0_i32 = arith.constant 0 : i32
    %c0_i32_0 = arith.constant 0 : i32
    %c0_i32_1 = arith.constant 0 : i32
    return %c0_i32, %c0_i32_0 : i32, i32
  }
  func.func @transform_4(%arg0: i32) -> (i32, i32) {
    %c0_i32 = arith.constant 0 : i32
    %c0_i32_0 = arith.constant 0 : i32
    %c0_i32_1 = arith.constant 0 : i32
    return %c0_i32, %c0_i32_0 : i32, i32
  }
  func.func @transform_5(%arg0: i32) -> (i32, i32) {
    %c0_i32 = arith.constant 0 : i32
    %c0_i32_0 = arith.constant 0 : i32
    %c0_i32_1 = arith.constant 0 : i32
    return %c0_i32, %c0_i32_0 : i32, i32
  }
  func.func @transform_6(%arg0: i32) -> (i32, i32) {
    %c0_i32 = arith.constant 0 : i32
    %c0_i32_0 = arith.constant 0 : i32
    %c0_i32_1 = arith.constant 0 : i32
    return %c0_i32, %c0_i32_0 : i32, i32
  }
  func.func @transform_7(%arg0: i32) -> (i32, i32) {
    %c0_i32 = arith.constant 0 : i32
    %c0_i32_0 = arith.constant 0 : i32
    %c0_i32_1 = arith.constant 0 : i32
    return %c0_i32, %c0_i32_0 : i32, i32
  }
  func.func @transform_8(%arg0: i32) -> (i32, i32) {
    %c0_i32 = arith.constant 0 : i32
    %c0_i32_0 = arith.constant 0 : i32
    return %arg0, %c0_i32 : i32, i32
  }
}

</mosaic_0001>

<sc_bundles>
// kernel: kernel.12.cloned.1.call-start
scs
__scs_entry_jumppad:
0x0: {  	(pc) =	sbr.rel $0x88, $3  }
0x1: {  	(tag) =	ssettag $0x0;
	lr =	simm.s32 $0x1  }
0x2: {  	[smem:$0x3F96] =	sst lr;
	_ =	strace $0xD0000000  }
0x3: {  	_ = 	snop  }
0x4: {  	_ = 	snop  }
0x5: {  	_ = 	snop  }
0x6: {  	_ = 	snop  }
0x7: {  	_ = 	snop  }
__scs_overlays_trampoline_lowered:
0x8: {  	[smem:$0x3FA5] =	sst s0  }
0x9: {  	[smem:$0x3FA6] =	sst s1  }
0xa: {  	[smem:$0x3FA7] =	sst s2  }
0xb: {  	[smem:$0x3FA8] =	sst s3  }
0xc: {  	[smem:$0x3FA9] =	sst s4  }
0xd: {  	[smem:$0x3FAA] =	sst s5  }
0xe: {  	[smem:$0x3FAB] =	sst s6  }
0xf: {  	[smem:$0x3FAC] =	sst s7  }
0x10: {  	[smem:$0x3FAD] =	sst s8  }
0x11: {  	[smem:$0x3FAE] =	sst s9;
	s0 =	simm.s32 @!p0 $0x0  }
0x12: {  	s1 =	sld [smem:$0x3F94];
	s0 =	simm.s32 @p0 $0x1  }
0x13: {  	[smem:$0x3FAF] =	sst s0;
	s0 =	simm.s32 @!p1 $0x0  }
0x14: {  	s2 =	sld [smem:$0x3F93];
	s0 =	simm.s32 @p1 $0x1  }
0x15: {  	[smem:$0x3FB0] =	sst s0;
	s0 =	simm.s32 @!p2 $0x0  }
0x16: {  	s3 =	sld [smem:$0x3FDB];
	s0 =	simm.s32 @p2 $0x1  }
0x17: {  	s4 =	simm.s32 $0x1BF5;
	[smem:$0x3FB2] =	sst s0  }
0x18: {  	s0 =	sld [smem:$0x3F95];
	_ =	swait.ge [sflag:s4], $0x0  }
0x19: {  	s7 =	sld [smem:$0x3F96]  }
0x1a: {  	s8 =	sadd.s32 $0xFFFFE003, lr  }
0x1b: {  	s9 =	sadd.s32 $0xFFFFFEF7, lr;
	s5 =	simm.s32 $0xFFFFFFFF;
	p2 =	slt.u32 s8, $0xFFFFF086  }
0x1c: {  	p1 =	slt.u32 s9, $0xF7A;
	s5 =	simm.s32 @!p2 $0x0  }
0x1d: {  	s5 =	simm.s32 @p1 $0x1;
	p0 =	seq.s32 s7, s2  }
0x1e: {  	s7 =	smul.u32 @!p0 $0xF7A, s2;
	p2 =	seq.s32 @!p0 s5, $0x0  }
0x1f: {  	s9 =	smul.u32 $0xF7A, s1;
	s8 =	simm.s32 @!p0 $0x1BF5;
	p2 =	por !p2, p0  }
0x20: {  	[sflag:s8] =	ssyncset.s32 @!p0 $0xFFFFF086;
	s6 =	sadd.s32 @!p0 s3, s7;
	s7 =	simm.s32 @!p0 $0x108  }
0x21: {  	s3 =	sadd.s32 s3, s9;
	s6 =	sadd.s32 @!p0 $0x88, s6;
	s7 =	simm.s32 @p2 $0x1082  }
0x22: {  	[simem:s7], [sflag:s8] =	dma.local @!p0 [hbm:s6], $0xF7A  }
0x23: {  	s9 =	sor.u32 $0xD0000000, s2;
	s6 =	simm.s32 $0x108;
	_ =	swait.ge @!p0 [sflag:s8], $0x0  }
0x24: {  	s3 =	sadd.s32 $0x88, s3;
	s6 =	simm.s32 @!p1 $0x1082;
	[sflag:s4] =	ssyncset.s32 $0xFFFFF086  }
0x25: {  	[simem:s6], [sflag:s4] =	dma.local [hbm:s3], $0xF7A  }
0x26: {  	[smem:$0x3F96] =	sst s1;
	(tag) =	ssettag s2;
	_ =	strace s9  }
0x27: {  	s1 =	sld [smem:$0x3FA6]  }
0x28: {  	s2 =	sld [smem:$0x3FA7]  }
0x29: {  	s4 =	sld [smem:$0x3FA9]  }
0x2a: {  	p0 =	seq.s32 s5, $0x0;
	s5 =	sld [smem:$0x3FAA]  }
0x2b: {  	s6 =	sld [smem:$0x3FAB]  }
0x2c: {  	s7 =	sld [smem:$0x3FAC]  }
0x2d: {  	s3 =	simm.s32 $0x108;
	s8 =	sld [smem:$0x3FAD]  }
0x2e: {  	s3 =	simm.s32 @!p0 $0x1082;
	s9 =	sld [smem:$0x3FAE]  }
0x2f: {  	lr =	sadd.s32 s0, s3;
	s0 =	sld [smem:$0x3FA5]  }
0x30: {  	s3 =	sld [smem:$0x3FA8]  }
0x31: {  	[smem:$0x3FB1] =	sst s10  }
0x32: {  	s10 =	sld [smem:$0x3FAF];
	_ =	sdelay $0x3  }
0x33: {  	p0 =	seq.s32 s10, $0x1;
	s10 =	sld [smem:$0x3FB1];
	_ =	sdelay $0x3  }
0x34: {  	[smem:$0x3FB1] =	sst s10  }
0x35: {  	s10 =	sld [smem:$0x3FB0];
	_ =	sdelay $0x3  }
0x36: {  	p1 =	seq.s32 s10, $0x1;
	s10 =	sld [smem:$0x3FB1];
	_ =	sdelay $0x3  }
0x37: {  	[smem:$0x3FB1] =	sst s10  }
0x38: {  	s10 =	sld [smem:$0x3FB2]  }
0x39: {  	_ = 	snop;
	(pc) =	sbr.ind lr, $3  }
0x3a: {  	_ = 	snop  }
0x3b: {  	_ = 	snop  }
0x3c: {  	p2 =	seq.s32 s10, $0x1;
	s10 =	sld [smem:$0x3FB1]  }
0x3d: {  	_ =	shalt  }
0x3e: {  	_ =	shalt  }
0x3f: {  	_ =	shalt  }
0x40: {  	_ =	shalt  }
0x41: {  	_ =	shalt  }
0x42: {  	_ =	shalt  }
0x43: {  	_ =	shalt  }
0x44: {  	_ =	shalt  }
0x45: {  	_ =	shalt  }
0x46: {  	_ =	shalt  }
0x47: {  	_ =	shalt  }
0x48: {  	_ =	shalt  }
0x49: {  	_ =	shalt  }
0x4a: {  	_ =	shalt  }
0x4b: {  	_ =	shalt  }
0x4c: {  	_ =	shalt  }
0x4d: {  	_ =	shalt  }
0x4e: {  	_ =	shalt  }
0x4f: {  	_ =	shalt  }
0x50: {  	_ =	shalt  }
0x51: {  	_ =	shalt  }
0x52: {  	_ =	shalt  }
0x53: {  	_ =	shalt  }
0x54: {  	_ =	shalt  }
0x55: {  	_ =	shalt  }
0x56: {  	_ =	shalt  }
0x57: {  	_ =	shalt  }
0x58: {  	_ =	shalt  }
0x59: {  	_ =	shalt  }
0x5a: {  	_ =	shalt  }
0x5b: {  	_ =	shalt  }
0x5c: {  	_ =	shalt  }
0x5d: {  	_ =	shalt  }
0x5e: {  	_ =	shalt  }
0x5f: {  	_ =	shalt  }
0x60: {  	_ =	shalt  }
0x61: {  	_ =	shalt  }
0x62: {  	_ =	shalt  }
0x63: {  	_ =	shalt  }
0x64: {  	_ =	shalt  }
0x65: {  	_ =	shalt  }
0x66: {  	_ =	shalt  }
0x67: {  	_ =	shalt  }
0x68: {  	_ =	shalt  }
0x69: {  	_ =	shalt  }
0x6a: {  	_ =	shalt  }
0x6b: {  	_ =	shalt  }
0x6c: {  	_ =	shalt  }
0x6d: {  	_ =	shalt  }
0x6e: {  	_ =	shalt  }
0x6f: {  	_ =	shalt  }
0x70: {  	_ =	shalt  }
0x71: {  	_ =	shalt  }
0x72: {  	_ =	shalt  }
0x73: {  	_ =	shalt  }
0x74: {  	_ =	shalt  }
0x75: {  	_ =	shalt  }
0x76: {  	_ =	shalt  }
0x77: {  	_ =	shalt  }
0x78: {  	_ =	shalt  }
0x79: {  	_ =	shalt  }
0x7a: {  	_ =	shalt  }
0x7b: {  	_ =	shalt  }
0x7c: {  	_ =	shalt  }
0x7d: {  	_ =	shalt  }
0x7e: {  	_ =	shalt  }
0x7f: {  	_ =	shalt  }
0x80: {  	_ =	shalt  }
0x81: {  	_ =	shalt  }
0x82: {  	_ =	shalt  }
0x83: {  	_ =	shalt  }
0x84: {  	_ =	shalt  }
0x85: {  	_ =	shalt  }
0x86: {  	_ =	shalt  }
0x87: {  	_ =	shalt  }
.Lfunc_end0:
.L_simem_size_0:
called_computation_lowered:
.L_overlay_start_0:
0x88: {  	s2 =	sld [smem:$0x3FD9]  }
0x89: {  	s3 =	sld [smem:$0x3FFE];
	_ =	sdelay $0x1  }
0x8a: {  	s1 =	srdreg.scid  }
0x8b: {  	s0 =	sand.u32 $0x1, s1  }
0x8c: {  	s17 =	sshll.u32 s0, $0xA;
	s2 =	sadd.s32 s3, s2  }
0x8d: {  	s2 =	sadd.s32 s2, s17  }
0x8e: {  	[smem:$0x3FBD] =	sst s2  }
0x8f: {  	_ = 	snop  }
0x90: {  	s2 =	sld [smem:$0x3FD0];
	(tm) =	ssettm $0x1  }
0x91: {  	s18 =	sld [smem:$0x3FFB];
	_ =	sdelay $0x3  }
0x92: {  	_ =	strace s18  }
0x93: {  	s3 =	sld [smem:$0x3FFC];
	_ =	sdelay $0x3  }
0x94: {  	_ =	strace s3  }
0x95: {  	s3 =	sld [smem:$0x3FFD];
	_ =	sdelay $0x3  }
0x96: {  	_ =	strace s3  }
0x97: {  	_ =	strace $0x8FFFFFFF  }
0x98: {  	s19 =	sld [smem:$0x3FDB];
	_ =	sdelay $0x1  }
0x99: {  	s4 =	simm.s32 $_scs_section_size  }
0x9a: {  	s5 =	simm.s32 $_size__tile_overlayer_lowered;
	s6 =	simm.s32 $_tile_overlayer_lowered  }
0x9b: {  	s22 =	simm.s32 $0x1BFF;
	s21 =	sshll.u32 s6, $0x1;
	s3 =	sadd.s32 s4, s19  }
0x9c: {  	s7 =	simm.s32 $0x0;
	s20 =	sshll.u32 s5, $0x1;
	s5 =	sadd.s32 s21, s3  }
0x9d: {  	[timem:s7], [sflag:s22] =	dma.local [hbm:s5], s20  }
0x9e: {  	_ =	swait.ge [sflag:s22], s20  }
0x9f: {  	s4 =	ssub.s32 $0x0, s20;
	[sflag:s22] =	ssyncset.done $0x0  }
0xa0: {  	[sflag:s22] =	ssyncadd.s32 s4;
	_ =	sdelay $0x1  }
0xa1: {  	s23 =	simm.s32 $0x1B8B  }
0xa2: {  	_ =	swait.ge [sflag:s23], $0x1  }
0xa3: {  	[sflag:s23] =	ssyncset.done $0x0  }
0xa4: {  	s25 =	simm.s32 $0x1B8E;
	s24 =	sld [smem:$0x3FFE];
	[sflag:s23] =	ssyncadd.s32 $0xFFFFFFFF  }
0xa5: {  	s26 =	simm.s32 $execute0_lowered;
	[smem:$0x3FD2] =	sst s25  }
0xa6: {  	s5 =	sshll.u32 s26, $0x1;
	_ =	strace $0x80000046;
	[dreg:$0x1] =	wrdreg $0xFFFFFFFF  }
0xa7: {  	s28 =	simm.s32 $_size_execute0_lowered;
	s3 =	sadd.s32 s3, s5;
	[dreg:$0x0] =	wrdreg $0x0  }
0xa8: {  	s5 =	sshll.u32 s28, $0x1;
	[dreg:$0x2] =	wrdreg s3  }
0xa9: {  	[dreg:$0x3] =	wrdreg s5  }
0xaa: {  	[dreg:$0x4] =	wrdreg $0xC0  }
0xab: {  	_ =	task [dreg:s7], $0x5FFFF  }
0xac: {  	[dreg:$0x1] =	wrdreg $0xFFFFFFFF  }
0xad: {  	[dreg:$0x0] =	wrdreg $0x60  }
0xae: {  	[dreg:$0x2] =	wrdreg s24  }
0xaf: {  	[dreg:$0x3] =	wrdreg s2  }
0xb0: {  	[dreg:$0x4] =	wrdreg $0xC1000  }
0xb1: {  	[dreg:$0x5] =	wrdreg $0x9  }
0xb2: {  	_ =	task.clear_ibuf [dreg:s7], $0x6FFFF;
	_ =	strace $0x90000046  }
0xb3: {  	s29 =	simm.s32 $0x9;
	_ =	strace $0x80000048  }
0xb4: {  	_ =	swait.ge [sflag:s29], $0x1  }
0xb5: {  	[sflag:s29] =	ssyncadd.s32 $0xFFFFFFFF  }
0xb6: {  	_ =	strace $0x90000048  }
0xb7: {  	_ =	sfence  }
0xb8: {  	s30 =	sld [smem:$0x0];
	_ =	sdelay $0x2  }
0xb9: {  	s31 =	sshll.u32 s1, $0xD;
	s1 =	sshrl.u32 s1, $0x2  }
0xba: {  	s3 =	sand.u32 $0x4000, s31;
	s1 =	sadd.s32 s1, s30  }
0xbb: {  	s0 =	sor.u32 s3, s0;
	s1 =	sshll.u32 s1, $0x11  }
0xbc: {  	s0 =	sor.u32 s1, s0  }
0xbd: {  	s0 =	sadd.s32 $0x8F2B, s0  }
0xbe: {  	[sflag:s0] =	ssyncadd.remote.s32 $0x1  }
0xbf: {  	_ =	sfence.sel $0xFFFF  }
0xc0: {  	[dreg:$0x0] =	wrdreg $0xFFFFFFFF;
	(pc) =	sbr.abs _section_cstart, $3  }
0xc1: {  	[dreg:$0x1] =	wrdreg $0xFFFFFFFF  }
0xc2: {  	_ =	task.clear_ibuf [dreg:s7], $0x2FFFF;
	_ =	strace $0x9FFFFFFF  }
0xc3: {  	(tm) =	ssettm $0x7FFFFFFF  }
tec
execute0_lowered:
.L_overlay_start_1:
0x0: {  	(tag) =	ssettag $0x1  }
0x1: {  	s11 =	rddreg [dreg:$0x0]  }
0x2: {  	s1 =	rddreg [dreg:$0x1]  }
0x3: {  	s2 =	rddreg [dreg:$0x2]  }
0x4: {  	s0 =	rddreg [dreg:$0x3];
	s3 =	simm.s32 $0x0;
	s6 =	srdreg.scid  }
0x5: {  	s18 =	simm.s32 $0x100;
	s19 =	simm.s32 $0x4100;
	s20 =	simm.s32 $0x1  }
0x6: {  	s21 =	simm.s32 $0x2;
	[smem:$0x7FF] =	sst s3;
	s4 =	sadd.s32 $0x17000, s11  }
0x7: {  	s5 =	sadd.s32 $0x3E800, s11;
	s7 =	sadd.s32 $0xD000, s11;
	s12 =	sand.u32 $0x1, s6  }
0x8: {  	s8 =	sadd.s32 $0x3000, s11;
	s6 =	stileid.u32;
	s9 =	sadd.s32 $0x66000, s11  }
0x9: {  	s10 =	sadd.s32 $0xB5800, s11;
	_ =	strace $0x80000047;
	s13 =	smul.u32 $0x27800, s12  }
0xa: {  	s14 =	ssub.s32 $0x2, s12;
	s15 =	smul.u32 $0x4F000, s6;
	s16 =	sshll.u32 s6, $0x8  }
0xb: {  	s12 =	sshll.u32 s12, $0x7;
	s23 =	smul.u32 $0x2780, s6;
	s31 =	sshll.u32 s6, $0x6  }
0xc: {  	s30 =	sshrl.u32 s14, $0x1;
	s13 =	sadd.s32 s13, s11;
	s15 =	sshrl.u32 s15, $0x2  }
0xd: {  	s14 =	ssub.s32 s14, s30;
	s11 =	sor.u32 s12, s16;
	s17 =	sadd.s32 s15, s2  }
0xe: {  	s22 =	sadd.s32 $0x66800, s13;
	s12 =	smax.u32 s14, $0x1;
	s13 =	simm.s32 $0x8100  }
0xf: {  	s14 =	simm.s32 $0x3;
	s15 =	sor.u32 $0x1C03, s31;
	s16 =	sshrl.u32 s17, $0x3  }
0x10: {  	s17 =	simm.s32 $0x80;
	s22 =	sadd.s32 s23, s22;
	s23 =	simm.s32 $0x0  }
.LBB2_1:
0x11: {  	[tilespmem:s13], [sflag:$0x3] =	stream.linear.gather [hbm4b:s9+s3], $0x4000, $0x38;
	[tilespmem:$0x1FD00] =	vst v63  }
0x12: {  	_ =	swait.ge [sflag:s14], $0x4000  }
0x13: {  	[sflag:s14] =	ssyncset.done $0x0  }
0x14: {  	[sflag:s14] =	ssyncadd.s32 $0xFFFFC000  }
0x15: {  	[spmem:s16], [sflag:s15] =	dma.local [hbm:s1], $0x2780  }
0x16: {  	_ =	swait.ge [sflag:s14], $0x2780  }
0x17: {  	[sflag:s14] =	ssyncset.done $0x0  }
0x18: {  	[sflag:s14] =	ssyncadd.s32 $0xFFFFD880  }
0x19: {  	s24 =	simm.s32 $0x0;
	[bflag:$0x0] =	sbarrier.arrive $0xFFFF  }
.LBB2_2:
0x1a: {  	s25 =	sshll.u32 s24, $0xC  }
0x1b: {  	s25 =	sor.u32 s11, s25  }
0x1c: {  	s26 =	sshrl.u32 s25, $0x3  }
0x1d: {  	s29 =	simm.s32 $0x0;
	s28 =	sadd.s32 s7, s26  }
0x1e: {  	[tilespmem:s29], [sflag:$0x3] =	stream.linear.gather [hbm4b:s28+s29], $0x80, $0x38;
	[tilespmem:$0x1FD00] =	vst v63  }
0x1f: {  	_ =	swait.ge [sflag:s14], $0x80  }
0x20: {  	[sflag:s14] =	ssyncset.done $0x0  }
0x21: {  	s26 =	sadd.s32 s8, s26;
	[sflag:s14] =	ssyncadd.s32 $0xFFFFFF80  }
0x22: {  	[tilespmem:s17], [sflag:$0x3] =	stream.linear.gather [hbm4b:s26+s29], $0x80, $0x38;
	[tilespmem:$0x1FD00] =	vst v63  }
0x23: {  	_ =	swait.ge [sflag:s14], $0x80  }
0x24: {  	[sflag:s14] =	ssyncset.done $0x0  }
0x25: {  	[sflag:s14] =	ssyncadd.s32 $0xFFFFFF80  }
0x26: {  	[tilespmem:s18], [sflag:$0x1] =	stream.indirect.gather [hbm4b:s4+s17], $0x80, s29, s17, $0xb8;
	[tilespmem:$0x1FD00] =	vst v63  }
0x27: {  	_ = 	snop  }
0x28: {  	[tilespmem:s19], [sflag:$0x2] =	stream.indirect.gather [hbm4b:s5+s17], $0x80, s17, s17, $0xb8;
	[tilespmem:$0x1FD00] =	vst v63  }
0x29: {  	_ =	swait.ge [sflag:s20], $0x4000  }
0x2a: {  	[sflag:s20] =	ssyncset.done $0x0  }
0x2b: {  	[sflag:s20] =	ssyncadd.s32 $0xFFFFC000  }
0x2c: {  	_ =	swait.ge [sflag:s21], $0x4000  }
0x2d: {  	[sflag:s21] =	ssyncset.done $0x0  }
0x2e: {  	s26 =	simm.s32 $0x0;
	[sflag:s21] =	ssyncadd.s32 $0xFFFFC000  }
0x2f: {  	v7 =	vld [tilespmem:s26+$0x4100]  }
0x30: {  	v11 =	vld [tilespmem:s26+$0x4110]  }
0x31: {  	v5 =	vld [tilespmem:s26+$0x4120]  }
0x32: {  	v4 =	vld [tilespmem:s26+$0x4130]  }
0x33: {  	v3 =	vld [tilespmem:s26+$0x4140]  }
0x34: {  	v2 =	vld [tilespmem:s26+$0x4150]  }
0x35: {  	v1 =	vld [tilespmem:s26+$0x4160]  }
0x36: {  	v0 =	vld [tilespmem:s26+$0x4170]  }
0x37: {  	v12 =	vld [tilespmem:s26+$0x100]  }
0x38: {  	v13 =	vld [tilespmem:s26+$0x110]  }
0x39: {  	v10 =	vld [tilespmem:s26+$0x120]  }
0x3a: {  	v9 =	vld [tilespmem:s26+$0x130]  }
0x3b: {  	v8 =	vld [tilespmem:s26+$0x140]  }
0x3c: {  	v6 =	vld [tilespmem:s26+$0x150];
	v12 =	vadd.f32 v7, v12  }
0x3d: {  	s28 =	simm.s32 $0x200;
	v11 =	vadd.f32 v11, v13;
	v7 =	vld [tilespmem:s26+$0x160]  }
.LBB2_3:
0x3e: {  	s29 =	sshra.s32 s28, $0x2;
	p0 =	sne.s32 s28, $0xFE00;
	[tilespmem:s26+$0x100] =	vst v12;
	v5 =	vadd.f32 v5, v10;
	v10 =	vld [tilespmem:s26+$0x170]  }
0x3f: {  	v12 =	vld [tilespmem:s29+$0x4100];
	[tilespmem:s26+$0x110] =	vst v11;
	v4 =	vadd.f32 v4, v9  }
0x40: {  	v11 =	vld [tilespmem:s29+$0x4110];
	[tilespmem:s26+$0x120] =	vst v5;
	v3 =	vadd.f32 v3, v8  }
0x41: {  	v5 =	vld [tilespmem:s29+$0x4120];
	[tilespmem:s26+$0x130] =	vst v4;
	v2 =	vadd.f32 v2, v6  }
0x42: {  	v4 =	vld [tilespmem:s29+$0x4130];
	[tilespmem:s26+$0x140] =	vst v3;
	v1 =	vadd.f32 v1, v7  }
0x43: {  	v3 =	vld [tilespmem:s29+$0x4140];
	[tilespmem:s26+$0x150] =	vst v2;
	v0 =	vadd.f32 v0, v10  }
0x44: {  	v2 =	vld [tilespmem:s29+$0x4150];
	[tilespmem:s26+$0x160] =	vst v1  }
0x45: {  	v1 =	vld [tilespmem:s29+$0x4160];
	[tilespmem:s26+$0x170] =	vst v0;
	s26 =	smov.u32 s29  }
0x46: {  	v0 =	vld [tilespmem:s26+$0x4170]  }
0x47: {  	v6 =	vld [tilespmem:s26+$0x100]  }
0x48: {  	v7 =	vld [tilespmem:s26+$0x110]  }
.Ltmp0:
0x49: {  	v10 =	vld [tilespmem:s26+$0x120];
	(pc) =	sbr.rel @p0 .LBB2_3-.Ltmp0, $4  }
0x4a: {  	v9 =	vld [tilespmem:s26+$0x130]  }
0x4b: {  	v8 =	vld [tilespmem:s26+$0x140]  }
0x4c: {  	v12 =	vadd.f32 v12, v6;
	v6 =	vld [tilespmem:s26+$0x150]  }
0x4d: {  	s28 =	sadd.s32 $0x200, s28;
	v11 =	vadd.f32 v11, v7;
	v7 =	vld [tilespmem:s26+$0x160]  }
0x4e: {  	[tilespmem:s26+$0x100] =	vst v12;
	v5 =	vadd.f32 v5, v10;
	v63 =	vld [tilespmem:s26+$0x170]  }
0x4f: {  	[tilespmem:s26+$0x110] =	vst v11;
	v4 =	vadd.f32 v4, v9  }
0x50: {  	[tilespmem:s26+$0x120] =	vst v5;
	v3 =	vadd.f32 v3, v8  }
0x51: {  	[tilespmem:s26+$0x130] =	vst v4;
	v2 =	vadd.f32 v2, v6  }
0x52: {  	[tilespmem:s26+$0x140] =	vst v3;
	v1 =	vadd.f32 v1, v7  }
0x53: {  	[tilespmem:s26+$0x150] =	vst v2;
	v0 =	vadd.f32 v0, v63  }
0x54: {  	s25 =	sshll.u32 s25, $0x4;
	[tilespmem:s26+$0x160] =	vst v1  }
0x55: {  	s25 =	sadd.s32 s10, s25;
	[tilespmem:s26+$0x170] =	vst v0  }
0x56: {  	[hbm4b:s25+s3] =	stream.linear.scatter [tilespmem:s18], [sflag:$0x3], $0x4000, $0x38;
	[tilespmem:$0x1FD00] =	vst v63  }
0x57: {  	s24 =	sadd.s32 $0x1, s24;
	_ =	swait.ge [sflag:s14], $0x4000  }
0x58: {  	p0 =	sne.s32 s24, $0x50;
	[sflag:s14] =	ssyncset.done $0x0  }
.Ltmp1:
0x59: {  	[sflag:s14] =	ssyncadd.s32 $0xFFFFC000;
	(pc) =	sbr.rel @p0 .LBB2_2-.Ltmp1, $4  }
0x5a: {  	[spmem:s2] =	stream.indirect.scatter.add.f32 [tilespmem:s13], [sflag:$0x3], $0x80, s17, s17, $0xb8;
	[tilespmem:$0x1FD00] =	vst v63  }
0x5b: {  	_ =	swait.ge [sflag:s14], $0x4000  }
0x5c: {  	[sflag:s14] =	ssyncset.done $0x0  }
0x5d: {  	[sflag:s14] =	ssyncadd.s32 $0xFFFFC000  }
0x5e: {  	s23 =	sadd.s32 $0x1, s23  }
0x5f: {  	p0 =	sne.s32 s23, s12  }
.Ltmp2:
0x60: {  	[bflag:$0x0] =	sbarrier.arrive $0xFFFF;
	(pc) =	sbr.rel @p0 .LBB2_1-.Ltmp2, $4  }
0x61: {  	[hbm:s22], [sflag:s15] =	dma.local [spmem:s16], $0x2780  }
0x62: {  	_ =	swait.ge [sflag:s14], $0x2780  }
0x63: {  	[sflag:s14] =	ssyncset.done $0x0  }
0x64: {  	[sflag:s14] =	ssyncadd.s32 $0xFFFFD880  }
0x65: {  	_ =	sfence.sel $0x180000  }
0x66: {  	[bflag:$0x0] =	sbarrier.arrive $0xFFFF  }
0x67: {  	p0 =	sne.s32 s6, $0x0;
	_ =	strace $0x90000047  }
0x68: {  	s0 =	sadd.s32 @!p0 $0x100000, s0;
	[bflag:$0x2] =	sbarrier.arrive $0xFFFF  }
0x69: {  	[sflag:s0] =	ssyncadd.tile.s32 @!p0 $0x1;
	_ =	shalt  }
.Lfunc_end2:
_tile_overlayer_lowered:
.L_overlay_start_2:
0x6a: {  	(tag) =	ssettag $0x2  }
0x6b: {  	s0 =	rddreg [dreg:$0x0];
	s2 =	stileid.u32  }
0x6c: {  	s1 =	rddreg [dreg:$0x1];
	p0 =	sne.s32 s2, $0x0  }
0x6d: {  	s3 =	rddreg [dreg:$0x2];
	[bflag:$0x3] =	sbarrier.arrive $0xFFFF;
	s2 =	simm.s32 @!p0 $0x1C03  }
0x6e: {  	[timem:s3], [sflag:s2] =	dma.local @!p0 [hbm:s0], s1  }
0x6f: {  	s0 =	simm.s32 @!p0 $0x3  }
0x70: {  	_ =	swait.ge @!p0 [sflag:s0], s1  }
0x71: {  	s1 =	ssub.s32 @!p0 $0x0, s1;
	[sflag:s0] =	ssyncset.done @!p0 $0x0  }
0x72: {  	[sflag:s0] =	ssyncadd.s32 @!p0 s1  }
0x73: {  	[bflag:$0x3] =	sbarrier.arrive $0xFFFF  }
0x74: {  	_ =	shalt  }

// kernel: kernel.15.cloned.1.call-start
scs
__scs_entry_jumppad:
0x0: {  	(pc) =	sbr.rel $0x88, $3  }
0x1: {  	(tag) =	ssettag $0x0;
	lr =	simm.s32 $0x1  }
0x2: {  	[smem:$0x3F96] =	sst lr;
	_ =	strace $0xD0000000  }
0x3: {  	_ = 	snop  }
0x4: {  	_ = 	snop  }
0x5: {  	_ = 	snop  }
0x6: {  	_ = 	snop  }
0x7: {  	_ = 	snop  }
__scs_overlays_trampoline_lowered:
0x8: {  	[smem:$0x3FA5] =	sst s0  }
0x9: {  	[smem:$0x3FA6] =	sst s1  }
0xa: {  	[smem:$0x3FA7] =	sst s2  }
0xb: {  	[smem:$0x3FA8] =	sst s3  }
0xc: {  	[smem:$0x3FA9] =	sst s4  }
0xd: {  	[smem:$0x3FAA] =	sst s5  }
0xe: {  	[smem:$0x3FAB] =	sst s6  }
0xf: {  	[smem:$0x3FAC] =	sst s7  }
0x10: {  	[smem:$0x3FAD] =	sst s8  }
0x11: {  	[smem:$0x3FAE] =	sst s9;
	s0 =	simm.s32 @!p0 $0x0  }
0x12: {  	s1 =	sld [smem:$0x3F94];
	s0 =	simm.s32 @p0 $0x1  }
0x13: {  	[smem:$0x3FAF] =	sst s0;
	s0 =	simm.s32 @!p1 $0x0  }
0x14: {  	s2 =	sld [smem:$0x3F93];
	s0 =	simm.s32 @p1 $0x1  }
0x15: {  	[smem:$0x3FB0] =	sst s0;
	s0 =	simm.s32 @!p2 $0x0  }
0x16: {  	s3 =	sld [smem:$0x3FDB];
	s0 =	simm.s32 @p2 $0x1  }
0x17: {  	s4 =	simm.s32 $0x1BF5;
	[smem:$0x3FB2] =	sst s0  }
0x18: {  	s0 =	sld [smem:$0x3F95];
	_ =	swait.ge [sflag:s4], $0x0  }
0x19: {  	s7 =	sld [smem:$0x3F96]  }
0x1a: {  	s8 =	sadd.s32 $0xFFFFE003, lr  }
0x1b: {  	s9 =	sadd.s32 $0xFFFFFEF7, lr;
	s5 =	simm.s32 $0xFFFFFFFF;
	p2 =	slt.u32 s8, $0xFFFFF086  }
0x1c: {  	p1 =	slt.u32 s9, $0xF7A;
	s5 =	simm.s32 @!p2 $0x0  }
0x1d: {  	s5 =	simm.s32 @p1 $0x1;
	p0 =	seq.s32 s7, s2  }
0x1e: {  	s7 =	smul.u32 @!p0 $0xF7A, s2;
	p2 =	seq.s32 @!p0 s5, $0x0  }
0x1f: {  	s9 =	smul.u32 $0xF7A, s1;
	s8 =	simm.s32 @!p0 $0x1BF5;
	p2 =	por !p2, p0  }
0x20: {  	[sflag:s8] =	ssyncset.s32 @!p0 $0xFFFFF086;
	s6 =	sadd.s32 @!p0 s3, s7;
	s7 =	simm.s32 @!p0 $0x108  }
0x21: {  	s3 =	sadd.s32 s3, s9;
	s6 =	sadd.s32 @!p0 $0x88, s6;
	s7 =	simm.s32 @p2 $0x1082  }
0x22: {  	[simem:s7], [sflag:s8] =	dma.local @!p0 [hbm:s6], $0xF7A  }
0x23: {  	s9 =	sor.u32 $0xD0000000, s2;
	s6 =	simm.s32 $0x108;
	_ =	swait.ge @!p0 [sflag:s8], $0x0  }
0x24: {  	s3 =	sadd.s32 $0x88, s3;
	s6 =	simm.s32 @!p1 $0x1082;
	[sflag:s4] =	ssyncset.s32 $0xFFFFF086  }
0x25: {  	[simem:s6], [sflag:s4] =	dma.local [hbm:s3], $0xF7A  }
0x26: {  	[smem:$0x3F96] =	sst s1;
	(tag) =	ssettag s2;
	_ =	strace s9  }
0x27: {  	s1 =	sld [smem:$0x3FA6]  }
0x28: {  	s2 =	sld [smem:$0x3FA7]  }
0x29: {  	s4 =	sld [smem:$0x3FA9]  }
0x2a: {  	p0 =	seq.s32 s5, $0x0;
	s5 =	sld [smem:$0x3FAA]  }
0x2b: {  	s6 =	sld [smem:$0x3FAB]  }
0x2c: {  	s7 =	sld [smem:$0x3FAC]  }
0x2d: {  	s3 =	simm.s32 $0x108;
	s8 =	sld [smem:$0x3FAD]  }
0x2e: {  	s3 =	simm.s32 @!p0 $0x1082;
	s9 =	sld [smem:$0x3FAE]  }
0x2f: {  	lr =	sadd.s32 s0, s3;
	s0 =	sld [smem:$0x3FA5]  }
0x30: {  	s3 =	sld [smem:$0x3FA8]  }
0x31: {  	[smem:$0x3FB1] =	sst s10  }
0x32: {  	s10 =	sld [smem:$0x3FAF];
	_ =	sdelay $0x3  }
0x33: {  	p0 =	seq.s32 s10, $0x1;
	s10 =	sld [smem:$0x3FB1];
	_ =	sdelay $0x3  }
0x34: {  	[smem:$0x3FB1] =	sst s10  }
0x35: {  	s10 =	sld [smem:$0x3FB0];
	_ =	sdelay $0x3  }
0x36: {  	p1 =	seq.s32 s10, $0x1;
	s10 =	sld [smem:$0x3FB1];
	_ =	sdelay $0x3  }
0x37: {  	[smem:$0x3FB1] =	sst s10  }
0x38: {  	s10 =	sld [smem:$0x3FB2]  }
0x39: {  	_ = 	snop;
	(pc) =	sbr.ind lr, $3  }
0x3a: {  	_ = 	snop  }
0x3b: {  	_ = 	snop  }
0x3c: {  	p2 =	seq.s32 s10, $0x1;
	s10 =	sld [smem:$0x3FB1]  }
0x3d: {  	_ =	shalt  }
0x3e: {  	_ =	shalt  }
0x3f: {  	_ =	shalt  }
0x40: {  	_ =	shalt  }
0x41: {  	_ =	shalt  }
0x42: {  	_ =	shalt  }
0x43: {  	_ =	shalt  }
0x44: {  	_ =	shalt  }
0x45: {  	_ =	shalt  }
0x46: {  	_ =	shalt  }
0x47: {  	_ =	shalt  }
0x48: {  	_ =	shalt  }
0x49: {  	_ =	shalt  }
0x4a: {  	_ =	shalt  }
0x4b: {  	_ =	shalt  }
0x4c: {  	_ =	shalt  }
0x4d: {  	_ =	shalt  }
0x4e: {  	_ =	shalt  }
0x4f: {  	_ =	shalt  }
0x50: {  	_ =	shalt  }
0x51: {  	_ =	shalt  }
0x52: {  	_ =	shalt  }
0x53: {  	_ =	shalt  }
0x54: {  	_ =	shalt  }
0x55: {  	_ =	shalt  }
0x56: {  	_ =	shalt  }
0x57: {  	_ =	shalt  }
0x58: {  	_ =	shalt  }
0x59: {  	_ =	shalt  }
0x5a: {  	_ =	shalt  }
0x5b: {  	_ =	shalt  }
0x5c: {  	_ =	shalt  }
0x5d: {  	_ =	shalt  }
0x5e: {  	_ =	shalt  }
0x5f: {  	_ =	shalt  }
0x60: {  	_ =	shalt  }
0x61: {  	_ =	shalt  }
0x62: {  	_ =	shalt  }
0x63: {  	_ =	shalt  }
0x64: {  	_ =	shalt  }
0x65: {  	_ =	shalt  }
0x66: {  	_ =	shalt  }
0x67: {  	_ =	shalt  }
0x68: {  	_ =	shalt  }
0x69: {  	_ =	shalt  }
0x6a: {  	_ =	shalt  }
0x6b: {  	_ =	shalt  }
0x6c: {  	_ =	shalt  }
0x6d: {  	_ =	shalt  }
0x6e: {  	_ =	shalt  }
0x6f: {  	_ =	shalt  }
0x70: {  	_ =	shalt  }
0x71: {  	_ =	shalt  }
0x72: {  	_ =	shalt  }
0x73: {  	_ =	shalt  }
0x74: {  	_ =	shalt  }
0x75: {  	_ =	shalt  }
0x76: {  	_ =	shalt  }
0x77: {  	_ =	shalt  }
0x78: {  	_ =	shalt  }
0x79: {  	_ =	shalt  }
0x7a: {  	_ =	shalt  }
0x7b: {  	_ =	shalt  }
0x7c: {  	_ =	shalt  }
0x7d: {  	_ =	shalt  }
0x7e: {  	_ =	shalt  }
0x7f: {  	_ =	shalt  }
0x80: {  	_ =	shalt  }
0x81: {  	_ =	shalt  }
0x82: {  	_ =	shalt  }
0x83: {  	_ =	shalt  }
0x84: {  	_ =	shalt  }
0x85: {  	_ =	shalt  }
0x86: {  	_ =	shalt  }
0x87: {  	_ =	shalt  }
.Lfunc_end0:
.L_simem_size_0:
called_computation.1_lowered:
.L_overlay_start_0:
0x88: {  	s2 =	sld [smem:$0x3FD9]  }
0x89: {  	s3 =	sld [smem:$0x3FFE];
	_ =	sdelay $0x1  }
0x8a: {  	s1 =	srdreg.scid  }
0x8b: {  	s0 =	sand.u32 $0x1, s1  }
0x8c: {  	s17 =	sshll.u32 s0, $0xA;
	s2 =	sadd.s32 s3, s2  }
0x8d: {  	s2 =	sadd.s32 s2, s17  }
0x8e: {  	[smem:$0x3FBD] =	sst s2  }
0x8f: {  	_ = 	snop  }
0x90: {  	s2 =	sld [smem:$0x3FD0];
	(tm) =	ssettm $0x1  }
0x91: {  	s18 =	sld [smem:$0x3FFB];
	_ =	sdelay $0x3  }
0x92: {  	_ =	strace s18  }
0x93: {  	s3 =	sld [smem:$0x3FFC];
	_ =	sdelay $0x3  }
0x94: {  	_ =	strace s3  }
0x95: {  	s3 =	sld [smem:$0x3FFD];
	_ =	sdelay $0x3  }
0x96: {  	_ =	strace s3  }
0x97: {  	_ =	strace $0x8FFFFFFF  }
0x98: {  	s19 =	sld [smem:$0x3FDB];
	_ =	sdelay $0x1  }
0x99: {  	s4 =	simm.s32 $_scs_section_size  }
0x9a: {  	s5 =	simm.s32 $_size__tile_overlayer_lowered;
	s6 =	simm.s32 $_tile_overlayer_lowered  }
0x9b: {  	s22 =	simm.s32 $0x1BFF;
	s21 =	sshll.u32 s6, $0x1;
	s3 =	sadd.s32 s4, s19  }
0x9c: {  	s7 =	simm.s32 $0x0;
	s20 =	sshll.u32 s5, $0x1;
	s5 =	sadd.s32 s21, s3  }
0x9d: {  	[timem:s7], [sflag:s22] =	dma.local [hbm:s5], s20  }
0x9e: {  	_ =	swait.ge [sflag:s22], s20  }
0x9f: {  	s4 =	ssub.s32 $0x0, s20;
	[sflag:s22] =	ssyncset.done $0x0  }
0xa0: {  	[sflag:s22] =	ssyncadd.s32 s4;
	_ =	sdelay $0x1  }
0xa1: {  	s23 =	simm.s32 $0x1B8B  }
0xa2: {  	_ =	swait.ge [sflag:s23], $0x1  }
0xa3: {  	[sflag:s23] =	ssyncset.done $0x0  }
0xa4: {  	s25 =	simm.s32 $0x1B8E;
	s24 =	sld [smem:$0x3FFE];
	[sflag:s23] =	ssyncadd.s32 $0xFFFFFFFF  }
0xa5: {  	s26 =	simm.s32 $execute0_lowered;
	[smem:$0x3FD2] =	sst s25  }
0xa6: {  	s5 =	sshll.u32 s26, $0x1;
	_ =	strace $0x80000049;
	[dreg:$0x1] =	wrdreg $0xFFFFFFFF  }
0xa7: {  	s28 =	simm.s32 $_size_execute0_lowered;
	s3 =	sadd.s32 s3, s5;
	[dreg:$0x0] =	wrdreg $0x0  }
0xa8: {  	s5 =	sshll.u32 s28, $0x1;
	[dreg:$0x2] =	wrdreg s3  }
0xa9: {  	[dreg:$0x3] =	wrdreg s5  }
0xaa: {  	[dreg:$0x4] =	wrdreg $0xC0  }
0xab: {  	_ =	task [dreg:s7], $0x5FFFF  }
0xac: {  	[dreg:$0x1] =	wrdreg $0xFFFFFFFF  }
0xad: {  	[dreg:$0x0] =	wrdreg $0x60  }
0xae: {  	[dreg:$0x2] =	wrdreg s24  }
0xaf: {  	[dreg:$0x3] =	wrdreg s2  }
0xb0: {  	[dreg:$0x4] =	wrdreg $0x41000  }
0xb1: {  	[dreg:$0x5] =	wrdreg $0x9  }
0xb2: {  	_ =	task.clear_ibuf [dreg:s7], $0x6FFFF;
	_ =	strace $0x90000049  }
0xb3: {  	s29 =	simm.s32 $0x9;
	_ =	strace $0x8000004B  }
0xb4: {  	_ =	swait.ge [sflag:s29], $0x1  }
0xb5: {  	[sflag:s29] =	ssyncadd.s32 $0xFFFFFFFF  }
0xb6: {  	_ =	strace $0x9000004B  }
0xb7: {  	_ =	sfence  }
0xb8: {  	s30 =	sld [smem:$0x0];
	_ =	sdelay $0x2  }
0xb9: {  	s31 =	sshll.u32 s1, $0xD;
	s1 =	sshrl.u32 s1, $0x2  }
0xba: {  	s3 =	sand.u32 $0x4000, s31;
	s1 =	sadd.s32 s1, s30  }
0xbb: {  	s0 =	sor.u32 s3, s0;
	s1 =	sshll.u32 s1, $0x11  }
0xbc: {  	s0 =	sor.u32 s1, s0  }
0xbd: {  	s0 =	sadd.s32 $0x8F2B, s0  }
0xbe: {  	[sflag:s0] =	ssyncadd.remote.s32 $0x1  }
0xbf: {  	_ =	sfence.sel $0xFFFF  }
0xc0: {  	[dreg:$0x0] =	wrdreg $0xFFFFFFFF;
	(pc) =	sbr.abs _section_cstart, $3  }
0xc1: {  	[dreg:$0x1] =	wrdreg $0xFFFFFFFF  }
0xc2: {  	_ =	task.clear_ibuf [dreg:s7], $0x2FFFF;
	_ =	strace $0x9FFFFFFF  }
0xc3: {  	(tm) =	ssettm $0x7FFFFFFF  }
tec
execute0_lowered:
.L_overlay_start_1:
0x0: {  	(tag) =	ssettag $0x1  }
0x1: {  	s6 =	rddreg [dreg:$0x0]  }
0x2: {  	s1 =	rddreg [dreg:$0x1]  }
0x3: {  	s2 =	rddreg [dreg:$0x2]  }
0x4: {  	s0 =	rddreg [dreg:$0x3]  }
0x5: {  	s4 =	simm.s32 $0x0;
	s3 =	srdreg.scid;
	s13 =	simm.s32 $0x100  }
0x6: {  	s14 =	simm.s32 $0x1;
	[smem:$0x7FF] =	sst s4;
	s7 =	sand.u32 $0x1, s3  }
0x7: {  	s3 =	stileid.u32;
	s5 =	sadd.s32 $0x17000, s6;
	s8 =	smul.u32 $0x27800, s7  }
0x8: {  	_ =	strace $0x8000004A;
	s9 =	sshll.u32 s3, $0x5;
	s10 =	smul.u32 $0x4F000, s3  }
0x9: {  	s11 =	ssub.s32 $0x2, s7;
	s31 =	sshll.u32 s3, $0x6;
	s12 =	sshll.u32 s7, $0x4  }
0xa: {  	s16 =	smul.u32 $0x2780, s3;
	s9 =	sadd.s32 s9, s6;
	s30 =	sshrl.u32 s11, $0x1  }
0xb: {  	s8 =	sadd.s32 s8, s6;
	s10 =	sshrl.u32 s10, $0x2;
	s11 =	ssub.s32 s11, s30  }
0xc: {  	s6 =	sor.u32 $0x1C02, s31;
	s9 =	sadd.s32 s12, s9;
	s12 =	simm.s32 $0x80  }
0xd: {  	s10 =	sadd.s32 s10, s2;
	s15 =	sadd.s32 $0x66000, s8;
	s7 =	smax.u32 s11, $0x1  }
0xe: {  	s8 =	sadd.s32 $0xD000, s9;
	s9 =	sadd.s32 $0x3000, s9;
	s11 =	simm.s32 $0x2  }
0xf: {  	s10 =	sshrl.u32 s10, $0x3;
	s15 =	sadd.s32 s16, s15;
	s16 =	simm.s32 $0x0  }
.LBB2_1:
0x10: {  	[spmem:s10], [sflag:s6] =	dma.local [hbm:s1], $0x2780  }
0x11: {  	_ =	swait.ge [sflag:s11], $0x2780  }
0x12: {  	[sflag:s11] =	ssyncset.done $0x0  }
0x13: {  	[sflag:s11] =	ssyncadd.s32 $0xFFFFD880  }
0x14: {  	s17 =	sadd.s32 $0x0, s8;
	[bflag:$0x0] =	sbarrier.arrive $0xFFFF  }
0x15: {  	[tilespmem:s4], [sflag:$0x2] =	stream.linear.gather [hbm4b:s17+s4], $0x80, $0x38;
	[tilespmem:$0x17D00] =	vst v63  }
0x16: {  	_ =	swait.ge [sflag:s11], $0x80  }
0x17: {  	[sflag:s11] =	ssyncset.done $0x0  }
0x18: {  	s31 =	sadd.s32 $0x0, s9;
	[sflag:s11] =	ssyncadd.s32 $0xFFFFFF80  }
0x19: {  	[tilespmem:s12], [sflag:$0x2] =	stream.linear.gather [hbm4b:s31+s4], $0x80, $0x38;
	[tilespmem:$0x17D00] =	vst v63  }
0x1a: {  	_ =	swait.ge [sflag:s11], $0x80  }
0x1b: {  	[sflag:s11] =	ssyncset.done $0x0  }
0x1c: {  	[sflag:s11] =	ssyncadd.s32 $0xFFFFFF80  }
0x1d: {  	[tilespmem:s13], [sflag:$0x1] =	stream.indirect.gather [hbm4b:s5+s12], $0x80, s4, s12, $0xb8;
	[tilespmem:$0x17D00] =	vst v63  }
0x1e: {  	_ =	swait.ge [sflag:s14], $0x4000  }
0x1f: {  	[sflag:s14] =	ssyncset.done $0x0  }
0x20: {  	[sflag:s14] =	ssyncadd.s32 $0xFFFFC000  }
0x21: {  	[spmem:s2] =	stream.indirect.scatter.add.f32 [tilespmem:s13], [sflag:$0x2], $0x80, s12, s12, $0xb8;
	[tilespmem:$0x17D00] =	vst v63  }
0x22: {  	_ =	swait.ge [sflag:s11], $0x4000  }
0x23: {  	s18 =	simm.s32 $0x400;
	s17 =	simm.s32 $0x200;
	[sflag:s11] =	ssyncset.done $0x0  }
.LBB2_2:
0x24: {  	s19 =	sadd.s32 s17, s8  }
0x25: {  	[sflag:s11] =	ssyncadd.s32 $0xFFFFC000;
	s20 =	smov.u32 s18;
	s21 =	sadd.s32 $0x200, s18  }
0x26: {  	[tilespmem:s4], [sflag:$0x2] =	stream.linear.gather [hbm4b:s19+s4], $0x80, $0x38;
	[tilespmem:$0x17D00] =	vst v63  }
0x27: {  	p0 =	sne.s32 s18, $0x9E00;
	_ =	swait.ge [sflag:s11], $0x80  }
0x28: {  	[sflag:s11] =	ssyncset.done $0x0  }
0x29: {  	s18 =	sadd.s32 s17, s9;
	s17 =	smov.u32 s20;
	[sflag:s11] =	ssyncadd.s32 $0xFFFFFF80  }
0x2a: {  	[tilespmem:s12], [sflag:$0x2] =	stream.linear.gather [hbm4b:s18+s4], $0x80, $0x38;
	[tilespmem:$0x17D00] =	vst v63  }
0x2b: {  	_ =	swait.ge [sflag:s11], $0x80  }
0x2c: {  	[sflag:s11] =	ssyncset.done $0x0  }
0x2d: {  	[sflag:s11] =	ssyncadd.s32 $0xFFFFFF80  }
0x2e: {  	[tilespmem:s13], [sflag:$0x1] =	stream.indirect.gather [hbm4b:s5+s12], $0x80, s4, s12, $0xb8;
	[tilespmem:$0x17D00] =	vst v63  }
0x2f: {  	_ =	swait.ge [sflag:s14], $0x4000  }
.Ltmp0:
0x30: {  	[sflag:s14] =	ssyncset.done $0x0;
	(pc) =	sbr.rel @p0 .LBB2_2-.Ltmp0, $4  }
0x31: {  	[sflag:s14] =	ssyncadd.s32 $0xFFFFC000  }
0x32: {  	[spmem:s2] =	stream.indirect.scatter.add.f32 [tilespmem:s13], [sflag:$0x2], $0x80, s12, s12, $0xb8;
	[tilespmem:$0x17D00] =	vst v63  }
0x33: {  	_ =	swait.ge [sflag:s11], $0x4000  }
0x34: {  	s18 =	smov.u32 s21;
	[sflag:s11] =	ssyncset.done $0x0  }
0x35: {  	s18 =	sadd.s32 s17, s8;
	[sflag:s11] =	ssyncadd.s32 $0xFFFFC000  }
0x36: {  	[tilespmem:s4], [sflag:$0x2] =	stream.linear.gather [hbm4b:s18+s4], $0x80, $0x38;
	[tilespmem:$0x17D00] =	vst v63  }
0x37: {  	_ =	swait.ge [sflag:s11], $0x80  }
0x38: {  	[sflag:s11] =	ssyncset.done $0x0  }
0x39: {  	s31 =	sadd.s32 s17, s9;
	[sflag:s11] =	ssyncadd.s32 $0xFFFFFF80  }
0x3a: {  	[tilespmem:s12], [sflag:$0x2] =	stream.linear.gather [hbm4b:s31+s4], $0x80, $0x38;
	[tilespmem:$0x17D00] =	vst v63  }
0x3b: {  	_ =	swait.ge [sflag:s11], $0x80  }
0x3c: {  	[sflag:s11] =	ssyncset.done $0x0  }
0x3d: {  	[sflag:s11] =	ssyncadd.s32 $0xFFFFFF80  }
0x3e: {  	[tilespmem:s13], [sflag:$0x1] =	stream.indirect.gather [hbm4b:s5+s12], $0x80, s4, s12, $0xb8;
	[tilespmem:$0x17D00] =	vst v63  }
0x3f: {  	_ =	swait.ge [sflag:s14], $0x4000  }
0x40: {  	[sflag:s14] =	ssyncset.done $0x0  }
0x41: {  	[sflag:s14] =	ssyncadd.s32 $0xFFFFC000  }
0x42: {  	[spmem:s2] =	stream.indirect.scatter.add.f32 [tilespmem:s13], [sflag:$0x2], $0x80, s12, s12, $0xb8;
	[tilespmem:$0x17D00] =	vst v63  }
0x43: {  	_ =	swait.ge [sflag:s11], $0x4000  }
0x44: {  	s16 =	sadd.s32 $0x1, s16;
	[sflag:s11] =	ssyncset.done $0x0  }
0x45: {  	p0 =	sne.s32 s16, s7;
	[sflag:s11] =	ssyncadd.s32 $0xFFFFC000  }
.Ltmp1:
0x46: {  	[bflag:$0x0] =	sbarrier.arrive $0xFFFF;
	(pc) =	sbr.rel @p0 .LBB2_1-.Ltmp1, $4  }
0x47: {  	[hbm:s15], [sflag:s6] =	dma.local [spmem:s10], $0x2780  }
0x48: {  	_ =	swait.ge [sflag:s11], $0x2780  }
0x49: {  	[sflag:s11] =	ssyncset.done $0x0  }
0x4a: {  	[sflag:s11] =	ssyncadd.s32 $0xFFFFD880  }
0x4b: {  	_ =	sfence.sel $0x180000  }
0x4c: {  	[bflag:$0x0] =	sbarrier.arrive $0xFFFF  }
0x4d: {  	p0 =	sne.s32 s3, $0x0;
	_ =	strace $0x9000004A  }
0x4e: {  	s0 =	sadd.s32 @!p0 $0x100000, s0;
	[bflag:$0x2] =	sbarrier.arrive $0xFFFF  }
0x4f: {  	[sflag:s0] =	ssyncadd.tile.s32 @!p0 $0x1;
	_ =	shalt  }
.Lfunc_end2:
_tile_overlayer_lowered:
.L_overlay_start_2:
0x50: {  	(tag) =	ssettag $0x2  }
0x51: {  	s0 =	rddreg [dreg:$0x0];
	s2 =	stileid.u32  }
0x52: {  	s1 =	rddreg [dreg:$0x1];
	p0 =	sne.s32 s2, $0x0  }
0x53: {  	s3 =	rddreg [dreg:$0x2];
	[bflag:$0x3] =	sbarrier.arrive $0xFFFF;
	s2 =	simm.s32 @!p0 $0x1C02  }
0x54: {  	[timem:s3], [sflag:s2] =	dma.local @!p0 [hbm:s0], s1  }
0x55: {  	s0 =	simm.s32 @!p0 $0x2  }
0x56: {  	_ =	swait.ge @!p0 [sflag:s0], s1  }
0x57: {  	s1 =	ssub.s32 @!p0 $0x0, s1;
	[sflag:s0] =	ssyncset.done @!p0 $0x0  }
0x58: {  	[sflag:s0] =	ssyncadd.s32 @!p0 s1  }
0x59: {  	[bflag:$0x3] =	sbarrier.arrive $0xFFFF  }
0x5a: {  	_ =	shalt  }

// kernel: kernel.18.cloned.1.call-start
scs
__scs_entry_jumppad:
0x0: {  	(pc) =	sbr.rel $0x88, $3  }
0x1: {  	(tag) =	ssettag $0x0;
	lr =	simm.s32 $0x1  }
0x2: {  	[smem:$0x3F96] =	sst lr;
	_ =	strace $0xD0000000  }
0x3: {  	_ = 	snop  }
0x4: {  	_ = 	snop  }
0x5: {  	_ = 	snop  }
0x6: {  	_ = 	snop  }
0x7: {  	_ = 	snop  }
__scs_overlays_trampoline_lowered:
0x8: {  	[smem:$0x3FA5] =	sst s0  }
0x9: {  	[smem:$0x3FA6] =	sst s1  }
0xa: {  	[smem:$0x3FA7] =	sst s2  }
0xb: {  	[smem:$0x3FA8] =	sst s3  }
0xc: {  	[smem:$0x3FA9] =	sst s4  }
0xd: {  	[smem:$0x3FAA] =	sst s5  }
0xe: {  	[smem:$0x3FAB] =	sst s6  }
0xf: {  	[smem:$0x3FAC] =	sst s7  }
0x10: {  	[smem:$0x3FAD] =	sst s8  }
0x11: {  	[smem:$0x3FAE] =	sst s9;
	s0 =	simm.s32 @!p0 $0x0  }
0x12: {  	s1 =	sld [smem:$0x3F94];
	s0 =	simm.s32 @p0 $0x1  }
0x13: {  	[smem:$0x3FAF] =	sst s0;
	s0 =	simm.s32 @!p1 $0x0  }
0x14: {  	s2 =	sld [smem:$0x3F93];
	s0 =	simm.s32 @p1 $0x1  }
0x15: {  	[smem:$0x3FB0] =	sst s0;
	s0 =	simm.s32 @!p2 $0x0  }
0x16: {  	s3 =	sld [smem:$0x3FDB];
	s0 =	simm.s32 @p2 $0x1  }
0x17: {  	s4 =	simm.s32 $0x1BF5;
	[smem:$0x3FB2] =	sst s0  }
0x18: {  	s0 =	sld [smem:$0x3F95];
	_ =	swait.ge [sflag:s4], $0x0  }
0x19: {  	s7 =	sld [smem:$0x3F96]  }
0x1a: {  	s8 =	sadd.s32 $0xFFFFE003, lr  }
0x1b: {  	s9 =	sadd.s32 $0xFFFFFEF7, lr;
	s5 =	simm.s32 $0xFFFFFFFF;
	p2 =	slt.u32 s8, $0xFFFFF086  }
0x1c: {  	p1 =	slt.u32 s9, $0xF7A;
	s5 =	simm.s32 @!p2 $0x0  }
0x1d: {  	s5 =	simm.s32 @p1 $0x1;
	p0 =	seq.s32 s7, s2  }
0x1e: {  	s7 =	smul.u32 @!p0 $0xF7A, s2;
	p2 =	seq.s32 @!p0 s5, $0x0  }
0x1f: {  	s9 =	smul.u32 $0xF7A, s1;
	s8 =	simm.s32 @!p0 $0x1BF5;
	p2 =	por !p2, p0  }
0x20: {  	[sflag:s8] =	ssyncset.s32 @!p0 $0xFFFFF086;
	s6 =	sadd.s32 @!p0 s3, s7;
	s7 =	simm.s32 @!p0 $0x108  }
0x21: {  	s3 =	sadd.s32 s3, s9;
	s6 =	sadd.s32 @!p0 $0x88, s6;
	s7 =	simm.s32 @p2 $0x1082  }
0x22: {  	[simem:s7], [sflag:s8] =	dma.local @!p0 [hbm:s6], $0xF7A  }
0x23: {  	s9 =	sor.u32 $0xD0000000, s2;
	s6 =	simm.s32 $0x108;
	_ =	swait.ge @!p0 [sflag:s8], $0x0  }
0x24: {  	s3 =	sadd.s32 $0x88, s3;
	s6 =	simm.s32 @!p1 $0x1082;
	[sflag:s4] =	ssyncset.s32 $0xFFFFF086  }
0x25: {  	[simem:s6], [sflag:s4] =	dma.local [hbm:s3], $0xF7A  }
0x26: {  	[smem:$0x3F96] =	sst s1;
	(tag) =	ssettag s2;
	_ =	strace s9  }
0x27: {  	s1 =	sld [smem:$0x3FA6]  }
0x28: {  	s2 =	sld [smem:$0x3FA7]  }
0x29: {  	s4 =	sld [smem:$0x3FA9]  }
0x2a: {  	p0 =	seq.s32 s5, $0x0;
	s5 =	sld [smem:$0x3FAA]  }
0x2b: {  	s6 =	sld [smem:$0x3FAB]  }
0x2c: {  	s7 =	sld [smem:$0x3FAC]  }
0x2d: {  	s3 =	simm.s32 $0x108;
	s8 =	sld [smem:$0x3FAD]  }
0x2e: {  	s3 =	simm.s32 @!p0 $0x1082;
	s9 =	sld [smem:$0x3FAE]  }
0x2f: {  	lr =	sadd.s32 s0, s3;
	s0 =	sld [smem:$0x3FA5]  }
0x30: {  	s3 =	sld [smem:$0x3FA8]  }
0x31: {  	[smem:$0x3FB1] =	sst s10  }
0x32: {  	s10 =	sld [smem:$0x3FAF];
	_ =	sdelay $0x3  }
0x33: {  	p0 =	seq.s32 s10, $0x1;
	s10 =	sld [smem:$0x3FB1];
	_ =	sdelay $0x3  }
0x34: {  	[smem:$0x3FB1] =	sst s10  }
0x35: {  	s10 =	sld [smem:$0x3FB0];
	_ =	sdelay $0x3  }
0x36: {  	p1 =	seq.s32 s10, $0x1;
	s10 =	sld [smem:$0x3FB1];
	_ =	sdelay $0x3  }
0x37: {  	[smem:$0x3FB1] =	sst s10  }
0x38: {  	s10 =	sld [smem:$0x3FB2]  }
0x39: {  	_ = 	snop;
	(pc) =	sbr.ind lr, $3  }
0x3a: {  	_ = 	snop  }
0x3b: {  	_ = 	snop  }
0x3c: {  	p2 =	seq.s32 s10, $0x1;
	s10 =	sld [smem:$0x3FB1]  }
0x3d: {  	_ =	shalt  }
0x3e: {  	_ =	shalt  }
0x3f: {  	_ =	shalt  }
0x40: {  	_ =	shalt  }
0x41: {  	_ =	shalt  }
0x42: {  	_ =	shalt  }
0x43: {  	_ =	shalt  }
0x44: {  	_ =	shalt  }
0x45: {  	_ =	shalt  }
0x46: {  	_ =	shalt  }
0x47: {  	_ =	shalt  }
0x48: {  	_ =	shalt  }
0x49: {  	_ =	shalt  }
0x4a: {  	_ =	shalt  }
0x4b: {  	_ =	shalt  }
0x4c: {  	_ =	shalt  }
0x4d: {  	_ =	shalt  }
0x4e: {  	_ =	shalt  }
0x4f: {  	_ =	shalt  }
0x50: {  	_ =	shalt  }
0x51: {  	_ =	shalt  }
0x52: {  	_ =	shalt  }
0x53: {  	_ =	shalt  }
0x54: {  	_ =	shalt  }
0x55: {  	_ =	shalt  }
0x56: {  	_ =	shalt  }
0x57: {  	_ =	shalt  }
0x58: {  	_ =	shalt  }
0x59: {  	_ =	shalt  }
0x5a: {  	_ =	shalt  }
0x5b: {  	_ =	shalt  }
0x5c: {  	_ =	shalt  }
0x5d: {  	_ =	shalt  }
0x5e: {  	_ =	shalt  }
0x5f: {  	_ =	shalt  }
0x60: {  	_ =	shalt  }
0x61: {  	_ =	shalt  }
0x62: {  	_ =	shalt  }
0x63: {  	_ =	shalt  }
0x64: {  	_ =	shalt  }
0x65: {  	_ =	shalt  }
0x66: {  	_ =	shalt  }
0x67: {  	_ =	shalt  }
0x68: {  	_ =	shalt  }
0x69: {  	_ =	shalt  }
0x6a: {  	_ =	shalt  }
0x6b: {  	_ =	shalt  }
0x6c: {  	_ =	shalt  }
0x6d: {  	_ =	shalt  }
0x6e: {  	_ =	shalt  }
0x6f: {  	_ =	shalt  }
0x70: {  	_ =	shalt  }
0x71: {  	_ =	shalt  }
0x72: {  	_ =	shalt  }
0x73: {  	_ =	shalt  }
0x74: {  	_ =	shalt  }
0x75: {  	_ =	shalt  }
0x76: {  	_ =	shalt  }
0x77: {  	_ =	shalt  }
0x78: {  	_ =	shalt  }
0x79: {  	_ =	shalt  }
0x7a: {  	_ =	shalt  }
0x7b: {  	_ =	shalt  }
0x7c: {  	_ =	shalt  }
0x7d: {  	_ =	shalt  }
0x7e: {  	_ =	shalt  }
0x7f: {  	_ =	shalt  }
0x80: {  	_ =	shalt  }
0x81: {  	_ =	shalt  }
0x82: {  	_ =	shalt  }
0x83: {  	_ =	shalt  }
0x84: {  	_ =	shalt  }
0x85: {  	_ =	shalt  }
0x86: {  	_ =	shalt  }
0x87: {  	_ =	shalt  }
.Lfunc_end0:
.L_simem_size_0:
called_computation.2_lowered:
.L_overlay_start_0:
0x88: {  	s2 =	sld [smem:$0x3FD9]  }
0x89: {  	s3 =	sld [smem:$0x3FFE];
	_ =	sdelay $0x1  }
0x8a: {  	s1 =	srdreg.scid  }
0x8b: {  	s0 =	sand.u32 $0x1, s1  }
0x8c: {  	s17 =	sshll.u32 s0, $0xA;
	s2 =	sadd.s32 s3, s2  }
0x8d: {  	s2 =	sadd.s32 s2, s17  }
0x8e: {  	[smem:$0x3FBD] =	sst s2  }
0x8f: {  	_ = 	snop  }
0x90: {  	s2 =	sld [smem:$0x3FD0];
	(tm) =	ssettm $0x1  }
0x91: {  	s18 =	sld [smem:$0x3FFB];
	_ =	sdelay $0x3  }
0x92: {  	_ =	strace s18  }
0x93: {  	s3 =	sld [smem:$0x3FFC];
	_ =	sdelay $0x3  }
0x94: {  	_ =	strace s3  }
0x95: {  	s3 =	sld [smem:$0x3FFD];
	_ =	sdelay $0x3  }
0x96: {  	_ =	strace s3  }
0x97: {  	_ =	strace $0x8FFFFFFF  }
0x98: {  	s19 =	sld [smem:$0x3FDB];
	_ =	sdelay $0x1  }
0x99: {  	s4 =	simm.s32 $_scs_section_size  }
0x9a: {  	s5 =	simm.s32 $_size__tile_overlayer_lowered;
	s6 =	simm.s32 $_tile_overlayer_lowered  }
0x9b: {  	s22 =	simm.s32 $0x1BFF;
	s21 =	sshll.u32 s6, $0x1;
	s3 =	sadd.s32 s4, s19  }
0x9c: {  	s7 =	simm.s32 $0x0;
	s20 =	sshll.u32 s5, $0x1;
	s5 =	sadd.s32 s21, s3  }
0x9d: {  	[timem:s7], [sflag:s22] =	dma.local [hbm:s5], s20  }
0x9e: {  	_ =	swait.ge [sflag:s22], s20  }
0x9f: {  	s4 =	ssub.s32 $0x0, s20;
	[sflag:s22] =	ssyncset.done $0x0  }
0xa0: {  	[sflag:s22] =	ssyncadd.s32 s4;
	_ =	sdelay $0x1  }
0xa1: {  	s23 =	simm.s32 $0x1B8B  }
0xa2: {  	_ =	swait.ge [sflag:s23], $0x1  }
0xa3: {  	[sflag:s23] =	ssyncset.done $0x0  }
0xa4: {  	s25 =	simm.s32 $0x1B8E;
	s24 =	sld [smem:$0x3FFE];
	[sflag:s23] =	ssyncadd.s32 $0xFFFFFFFF  }
0xa5: {  	s26 =	simm.s32 $execute0_lowered;
	[smem:$0x3FD2] =	sst s25  }
0xa6: {  	s5 =	sshll.u32 s26, $0x1;
	_ =	strace $0x8000004C;
	[dreg:$0x1] =	wrdreg $0xFFFFFFFF  }
0xa7: {  	s28 =	simm.s32 $_size_execute0_lowered;
	s3 =	sadd.s32 s3, s5;
	[dreg:$0x0] =	wrdreg $0x0  }
0xa8: {  	s5 =	sshll.u32 s28, $0x1;
	[dreg:$0x2] =	wrdreg s3  }
0xa9: {  	[dreg:$0x3] =	wrdreg s5  }
0xaa: {  	[dreg:$0x4] =	wrdreg $0xC0  }
0xab: {  	_ =	task [dreg:s7], $0x5FFFF  }
0xac: {  	[dreg:$0x1] =	wrdreg $0xFFFFFFFF  }
0xad: {  	[dreg:$0x0] =	wrdreg $0x60  }
0xae: {  	[dreg:$0x2] =	wrdreg s24  }
0xaf: {  	[dreg:$0x3] =	wrdreg s2  }
0xb0: {  	[dreg:$0x4] =	wrdreg $0x41000  }
0xb1: {  	[dreg:$0x5] =	wrdreg $0x9  }
0xb2: {  	_ =	task.clear_ibuf [dreg:s7], $0x6FFFF;
	_ =	strace $0x9000004C  }
0xb3: {  	s29 =	simm.s32 $0x9;
	_ =	strace $0x8000004E  }
0xb4: {  	_ =	swait.ge [sflag:s29], $0x1  }
0xb5: {  	[sflag:s29] =	ssyncadd.s32 $0xFFFFFFFF  }
0xb6: {  	_ =	strace $0x9000004E  }
0xb7: {  	_ =	sfence  }
0xb8: {  	s30 =	sld [smem:$0x0];
	_ =	sdelay $0x2  }
0xb9: {  	s31 =	sshll.u32 s1, $0xD;
	s1 =	sshrl.u32 s1, $0x2  }
0xba: {  	s3 =	sand.u32 $0x4000, s31;
	s1 =	sadd.s32 s1, s30  }
0xbb: {  	s0 =	sor.u32 s3, s0;
	s1 =	sshll.u32 s1, $0x11  }
0xbc: {  	s0 =	sor.u32 s1, s0  }
0xbd: {  	s0 =	sadd.s32 $0x8F2B, s0  }
0xbe: {  	[sflag:s0] =	ssyncadd.remote.s32 $0x1  }
0xbf: {  	_ =	sfence.sel $0xFFFF  }
0xc0: {  	[dreg:$0x0] =	wrdreg $0xFFFFFFFF;
	(pc) =	sbr.abs _section_cstart, $3  }
0xc1: {  	[dreg:$0x1] =	wrdreg $0xFFFFFFFF  }
0xc2: {  	_ =	task.clear_ibuf [dreg:s7], $0x2FFFF;
	_ =	strace $0x9FFFFFFF  }
0xc3: {  	(tm) =	ssettm $0x7FFFFFFF  }
tec
execute0_lowered:
.L_overlay_start_1:
0x0: {  	(tag) =	ssettag $0x1  }
0x1: {  	s6 =	rddreg [dreg:$0x0]  }
0x2: {  	s1 =	rddreg [dreg:$0x1]  }
0x3: {  	s2 =	rddreg [dreg:$0x2]  }
0x4: {  	s0 =	rddreg [dreg:$0x3]  }
0x5: {  	s4 =	simm.s32 $0x0;
	s3 =	srdreg.scid;
	s13 =	simm.s32 $0x100  }
0x6: {  	s14 =	simm.s32 $0x1;
	[smem:$0x7FF] =	sst s4;
	s7 =	sand.u32 $0x1, s3  }
0x7: {  	s3 =	stileid.u32;
	s5 =	sadd.s32 $0x17000, s6;
	s8 =	smul.u32 $0x27800, s7  }
0x8: {  	_ =	strace $0x8000004D;
	s9 =	sshll.u32 s3, $0x5;
	s10 =	smul.u32 $0x4F000, s3  }
0x9: {  	s11 =	ssub.s32 $0x2, s7;
	s31 =	sshll.u32 s3, $0x6;
	s12 =	sshll.u32 s7, $0x4  }
0xa: {  	s16 =	smul.u32 $0x2780, s3;
	s9 =	sadd.s32 s9, s6;
	s30 =	sshrl.u32 s11, $0x1  }
0xb: {  	s8 =	sadd.s32 s8, s6;
	s10 =	sshrl.u32 s10, $0x2;
	s11 =	ssub.s32 s11, s30  }
0xc: {  	s6 =	sor.u32 $0x1C02, s31;
	s9 =	sadd.s32 s12, s9;
	s12 =	simm.s32 $0x80  }
0xd: {  	s10 =	sadd.s32 s10, s2;
	s15 =	sadd.s32 $0x66000, s8;
	s7 =	smax.u32 s11, $0x1  }
0xe: {  	s8 =	sadd.s32 $0xD000, s9;
	s9 =	sadd.s32 $0x3000, s9;
	s11 =	simm.s32 $0x2  }
0xf: {  	s10 =	sshrl.u32 s10, $0x3;
	s15 =	sadd.s32 s16, s15;
	s16 =	simm.s32 $0x0  }
.LBB2_1:
0x10: {  	[spmem:s10], [sflag:s6] =	dma.local [hbm:s1], $0x2780  }
0x11: {  	_ =	swait.ge [sflag:s11], $0x2780  }
0x12: {  	[sflag:s11] =	ssyncset.done $0x0  }
0x13: {  	[sflag:s11] =	ssyncadd.s32 $0xFFFFD880  }
0x14: {  	s17 =	sadd.s32 $0x0, s8;
	[bflag:$0x0] =	sbarrier.arrive $0xFFFF  }
0x15: {  	[tilespmem:s4], [sflag:$0x2] =	stream.linear.gather [hbm4b:s17+s4], $0x80, $0x38;
	[tilespmem:$0x17D00] =	vst v63  }
0x16: {  	_ =	swait.ge [sflag:s11], $0x80  }
0x17: {  	[sflag:s11] =	ssyncset.done $0x0  }
0x18: {  	s31 =	sadd.s32 $0x0, s9;
	[sflag:s11] =	ssyncadd.s32 $0xFFFFFF80  }
0x19: {  	[tilespmem:s12], [sflag:$0x2] =	stream.linear.gather [hbm4b:s31+s4], $0x80, $0x38;
	[tilespmem:$0x17D00] =	vst v63  }
0x1a: {  	_ =	swait.ge [sflag:s11], $0x80  }
0x1b: {  	[sflag:s11] =	ssyncset.done $0x0  }
0x1c: {  	[sflag:s11] =	ssyncadd.s32 $0xFFFFFF80  }
0x1d: {  	[tilespmem:s13], [sflag:$0x1] =	stream.indirect.gather [hbm4b:s5+s12], $0x80, s4, s12, $0xb8;
	[tilespmem:$0x17D00] =	vst v63  }
0x1e: {  	_ =	swait.ge [sflag:s14], $0x4000  }
0x1f: {  	[sflag:s14] =	ssyncset.done $0x0  }
0x20: {  	[sflag:s14] =	ssyncadd.s32 $0xFFFFC000  }
0x21: {  	[spmem:s2] =	stream.indirect.scatter.add.f32 [tilespmem:s13], [sflag:$0x2], $0x80, s12, s12, $0xb8;
	[tilespmem:$0x17D00] =	vst v63  }
0x22: {  	_ =	swait.ge [sflag:s11], $0x4000  }
0x23: {  	s18 =	simm.s32 $0x400;
	s17 =	simm.s32 $0x200;
	[sflag:s11] =	ssyncset.done $0x0  }
.LBB2_2:
0x24: {  	s19 =	sadd.s32 s17, s8  }
0x25: {  	[sflag:s11] =	ssyncadd.s32 $0xFFFFC000;
	s20 =	smov.u32 s18;
	s21 =	sadd.s32 $0x200, s18  }
0x26: {  	[tilespmem:s4], [sflag:$0x2] =	stream.linear.gather [hbm4b:s19+s4], $0x80, $0x38;
	[tilespmem:$0x17D00] =	vst v63  }
0x27: {  	p0 =	sne.s32 s18, $0x9E00;
	_ =	swait.ge [sflag:s11], $0x80  }
0x28: {  	[sflag:s11] =	ssyncset.done $0x0  }
0x29: {  	s18 =	sadd.s32 s17, s9;
	s17 =	smov.u32 s20;
	[sflag:s11] =	ssyncadd.s32 $0xFFFFFF80  }
0x2a: {  	[tilespmem:s12], [sflag:$0x2] =	stream.linear.gather [hbm4b:s18+s4], $0x80, $0x38;
	[tilespmem:$0x17D00] =	vst v63  }
0x2b: {  	_ =	swait.ge [sflag:s11], $0x80  }
0x2c: {  	[sflag:s11] =	ssyncset.done $0x0  }
0x2d: {  	[sflag:s11] =	ssyncadd.s32 $0xFFFFFF80  }
0x2e: {  	[tilespmem:s13], [sflag:$0x1] =	stream.indirect.gather [hbm4b:s5+s12], $0x80, s4, s12, $0xb8;
	[tilespmem:$0x17D00] =	vst v63  }
0x2f: {  	_ =	swait.ge [sflag:s14], $0x4000  }
.Ltmp0:
0x30: {  	[sflag:s14] =	ssyncset.done $0x0;
	(pc) =	sbr.rel @p0 .LBB2_2-.Ltmp0, $4  }
0x31: {  	[sflag:s14] =	ssyncadd.s32 $0xFFFFC000  }
0x32: {  	[spmem:s2] =	stream.indirect.scatter.add.f32 [tilespmem:s13], [sflag:$0x2], $0x80, s12, s12, $0xb8;
	[tilespmem:$0x17D00] =	vst v63  }
0x33: {  	_ =	swait.ge [sflag:s11], $0x4000  }
0x34: {  	s18 =	smov.u32 s21;
	[sflag:s11] =	ssyncset.done $0x0  }
0x35: {  	s18 =	sadd.s32 s17, s8;
	[sflag:s11] =	ssyncadd.s32 $0xFFFFC000  }
0x36: {  	[tilespmem:s4], [sflag:$0x2] =	stream.linear.gather [hbm4b:s18+s4], $0x80, $0x38;
	[tilespmem:$0x17D00] =	vst v63  }
0x37: {  	_ =	swait.ge [sflag:s11], $0x80  }
0x38: {  	[sflag:s11] =	ssyncset.done $0x0  }
0x39: {  	s31 =	sadd.s32 s17, s9;
	[sflag:s11] =	ssyncadd.s32 $0xFFFFFF80  }
0x3a: {  	[tilespmem:s12], [sflag:$0x2] =	stream.linear.gather [hbm4b:s31+s4], $0x80, $0x38;
	[tilespmem:$0x17D00] =	vst v63  }
0x3b: {  	_ =	swait.ge [sflag:s11], $0x80  }
0x3c: {  	[sflag:s11] =	ssyncset.done $0x0  }
0x3d: {  	[sflag:s11] =	ssyncadd.s32 $0xFFFFFF80  }
0x3e: {  	[tilespmem:s13], [sflag:$0x1] =	stream.indirect.gather [hbm4b:s5+s12], $0x80, s4, s12, $0xb8;
	[tilespmem:$0x17D00] =	vst v63  }
0x3f: {  	_ =	swait.ge [sflag:s14], $0x4000  }
0x40: {  	[sflag:s14] =	ssyncset.done $0x0  }
0x41: {  	[sflag:s14] =	ssyncadd.s32 $0xFFFFC000  }
0x42: {  	[spmem:s2] =	stream.indirect.scatter.add.f32 [tilespmem:s13], [sflag:$0x2], $0x80, s12, s12, $0xb8;
	[tilespmem:$0x17D00] =	vst v63  }
0x43: {  	_ =	swait.ge [sflag:s11], $0x4000  }
0x44: {  	s16 =	sadd.s32 $0x1, s16;
	[sflag:s11] =	ssyncset.done $0x0  }
0x45: {  	p0 =	sne.s32 s16, s7;
	[sflag:s11] =	ssyncadd.s32 $0xFFFFC000  }
.Ltmp1:
0x46: {  	[bflag:$0x0] =	sbarrier.arrive $0xFFFF;
	(pc) =	sbr.rel @p0 .LBB2_1-.Ltmp1, $4  }
0x47: {  	[hbm:s15], [sflag:s6] =	dma.local [spmem:s10], $0x2780  }
0x48: {  	_ =	swait.ge [sflag:s11], $0x2780  }
0x49: {  	[sflag:s11] =	ssyncset.done $0x0  }
0x4a: {  	[sflag:s11] =	ssyncadd.s32 $0xFFFFD880  }
0x4b: {  	_ =	sfence.sel $0x180000  }
0x4c: {  	[bflag:$0x0] =	sbarrier.arrive $0xFFFF  }
0x4d: {  	p0 =	sne.s32 s3, $0x0;
	_ =	strace $0x9000004D  }
0x4e: {  	s0 =	sadd.s32 @!p0 $0x100000, s0;
	[bflag:$0x2] =	sbarrier.arrive $0xFFFF  }
0x4f: {  	[sflag:s0] =	ssyncadd.tile.s32 @!p0 $0x1;
	_ =	shalt  }
.Lfunc_end2:
_tile_overlayer_lowered:
.L_overlay_start_2:
0x50: {  	(tag) =	ssettag $0x2  }
0x51: {  	s0 =	rddreg [dreg:$0x0];
	s2 =	stileid.u32  }
0x52: {  	s1 =	rddreg [dreg:$0x1];
	p0 =	sne.s32 s2, $0x0  }
0x53: {  	s3 =	rddreg [dreg:$0x2];
	[bflag:$0x3] =	sbarrier.arrive $0xFFFF;
	s2 =	simm.s32 @!p0 $0x1C02  }
0x54: {  	[timem:s3], [sflag:s2] =	dma.local @!p0 [hbm:s0], s1  }
0x55: {  	s0 =	simm.s32 @!p0 $0x2  }
0x56: {  	_ =	swait.ge @!p0 [sflag:s0], s1  }
0x57: {  	s1 =	ssub.s32 @!p0 $0x0, s1;
	[sflag:s0] =	ssyncset.done @!p0 $0x0  }
0x58: {  	[sflag:s0] =	ssyncadd.s32 @!p0 s1  }
0x59: {  	[bflag:$0x3] =	sbarrier.arrive $0xFFFF  }
0x5a: {  	_ =	shalt  }

</sc_bundles>
